<compile_context>
chip_gen: v7x
topology: tpu7x:2x2x1
jax: 0.10.2.dev20260603
libtpu: 0.0.44.dev20260713+nightly
codegen_flags: <defaults>
</compile_context>

<pallas_src>
import dataclasses
import functools

import jax
import jax.numpy as jnp
from jax import lax
from jax.experimental import pallas as pl
from jax.experimental.pallas import tpu as pltpu
from jax.experimental.pallas import tpu_sc as plsc

M = 100000
D = 384
HID = 384
K = 8

BLK = 5120
N_BLK = 20

LANES = 16
N_CORES = 2
N_SUB = 16
N_TILES = N_CORES * N_SUB
PAD_M = 102400
CHUNK = PAD_M // N_TILES
NEG = -3.0e38

_PREC = lax.Precision.HIGHEST


def _sim_body(q_ref, sw_ref, mem_ref, ct_ref, sim_ref, act_ref):
    q = q_ref[...]
    qn = q / jnp.maximum(jnp.sqrt(jnp.sum(q * q)), 1e-8)
    mem = mem_ref[...]
    sim_raw = lax.dot_general(
        mem, qn, (((1,), (1,)), ((), ())),
        preferred_element_type=jnp.float32, precision=_PREC)
    ones = jnp.ones((1, D), jnp.float32)
    normsq = lax.dot_general(
        mem * mem, ones, (((1,), (1,)), ((), ())),
        preferred_element_type=jnp.float32, precision=_PREC)
    sim_ref[...] = sim_raw * lax.rsqrt(jnp.maximum(normsq, 1e-16))

    sw = sw_ref[...]
    cx = jnp.mean(sw[:, 0])
    cy = jnp.mean(sw[:, 1])
    ct = ct_ref[...]
    dx = ct[0] - cx
    dy = ct[1] - cy
    act_ref[...] = 1.0 / (1.0 + jnp.sqrt(dx * dx + dy * dy))


def _total_sim(query_vector, spatial_weights, memory_vectors, coords):
    coords_t = jnp.pad(coords, ((0, PAD_M - M), (0, 0))).T.reshape(
        2, PAD_M // 128, 128)
    return pl.pallas_call(
        _sim_body,
        grid=(N_BLK,),
        in_specs=[
            pl.BlockSpec((1, D), lambda i: (0, 0)),
            pl.BlockSpec((D, 2), lambda i: (0, 0)),
            pl.BlockSpec((BLK, D), lambda i: (i, 0)),
            pl.BlockSpec((2, BLK // 128, 128), lambda i: (0, i, 0)),
        ],
        out_specs=[
            pl.BlockSpec((BLK, 1), lambda i: (i, 0)),
            pl.BlockSpec((BLK // 128, 128), lambda i: (i, 0)),
        ],
        out_shape=[
            jax.ShapeDtypeStruct((PAD_M, 1), jnp.float32),
            jax.ShapeDtypeStruct((PAD_M // 128, 128), jnp.float32),
        ],
    )(query_vector, spatial_weights, memory_vectors, coords_t)


def _merge_desc(av, ai, bv_asc, bi_asc):
    ge = av >= bv_asc
    mv = jnp.where(ge, av, bv_asc)
    mi = jnp.where(ge, ai, bi_asc)
    sv, si = plsc.sort_key_val(mv, mi, descending=True)
    return sv, si


def _topk_body(sim_hbm, act_hbm, mem_hbm, vals_out, rows_out, pv_hbm, pi_hbm,
               chunk_v, actc_v, mv_v, mi_v, tv_v, ti_v, rows_v, sem):
    c = lax.axis_index("c")
    s = lax.axis_index("s")
    w = c * N_SUB + s
    base = w * CHUNK
    pltpu.sync_copy(sim_hbm.at[pl.ds(base, CHUNK)], chunk_v)
    pltpu.sync_copy(act_hbm.at[pl.ds(base, CHUNK)], actc_v)

    lane = lax.iota(jnp.int32, 16)

    def load16(i):
        gidx = base + i * 16 + lane
        v = jnp.where(gidx < M,
                      chunk_v[pl.ds(i * 16, 16)] + actc_v[pl.ds(i * 16, 16)],
                      NEG)
        return v, gidx

    def step(i, carry):
        av0, ai0, av1, ai1 = carry
        v0, g0 = load16(2 * i)
        v1, g1 = load16(2 * i + 1)
        bv0, bi0 = plsc.sort_key_val(v0, g0, descending=False)
        bv1, bi1 = plsc.sort_key_val(v1, g1, descending=False)
        av0, ai0 = _merge_desc(av0, ai0, bv0, bi0)
        av1, ai1 = _merge_desc(av1, ai1, bv1, bi1)
        return av0, ai0, av1, ai1

    neg16 = jnp.full((16,), NEG, jnp.float32)
    zero16 = jnp.zeros((16,), jnp.int32)
    av0, ai0, av1, ai1 = lax.fori_loop(0, CHUNK // 32, step,
                                       (neg16, zero16, neg16, zero16))
    bv1, bi1 = plsc.sort_key_val(av1, ai1, descending=False)
    av, ai = _merge_desc(av0, ai0, bv1, bi1)

    mv_v[...] = av
    mi_v[...] = ai
    pltpu.sync_copy(mv_v, pv_hbm.at[pl.ds(w * LANES, LANES)])
    pltpu.sync_copy(mi_v, pi_hbm.at[pl.ds(w * LANES, LANES)])
    plsc.subcore_barrier()

    @pl.when(s == 0)
    def _():
        pltpu.sync_copy(pv_hbm.at[pl.ds(c * N_SUB * LANES, N_SUB * LANES)],
                        tv_v)
        pltpu.sync_copy(pi_hbm.at[pl.ds(c * N_SUB * LANES, N_SUB * LANES)],
                        ti_v)

        def merge_tile(t, carry):
            fv, fi = carry
            bv, bi = plsc.sort_key_val(tv_v[pl.ds(t * LANES, LANES)],
                                       ti_v[pl.ds(t * LANES, LANES)],
                                       descending=False)
            return _merge_desc(fv, fi, bv, bi)

        fv, fi = lax.fori_loop(1, N_SUB, merge_tile, (av, ai))
        mv_v[...] = fv
        mi_v[...] = fi
        pltpu.async_copy(mem_hbm.at[mi_v], rows_v, sem).wait()
        pltpu.sync_copy(mv_v, vals_out.at[c])
        pltpu.sync_copy(rows_v, rows_out.at[c])


@functools.cache
def _make_topk_sc():
    cp = pltpu.CompilerParams()
    if "needs_layout_passes" in pltpu.CompilerParams.__dataclass_fields__:
        cp = dataclasses.replace(cp, needs_layout_passes=False)
    return functools.partial(
        pl.kernel,
        compiler_params=cp,
        mesh=plsc.VectorSubcoreMesh(core_axis_name="c", subcore_axis_name="s"),
        out_type=[
            jax.ShapeDtypeStruct((N_CORES, LANES), jnp.float32),
            jax.ShapeDtypeStruct((N_CORES, LANES, D), jnp.float32),
            jax.ShapeDtypeStruct((N_TILES * LANES,), jnp.float32),
            jax.ShapeDtypeStruct((N_TILES * LANES,), jnp.int32),
        ],
        scratch_types=[
            pltpu.VMEM((CHUNK,), jnp.float32),
            pltpu.VMEM((CHUNK,), jnp.float32),
            pltpu.VMEM((LANES,), jnp.float32),
            pltpu.VMEM((LANES,), jnp.int32),
            pltpu.VMEM((N_SUB * LANES,), jnp.float32),
            pltpu.VMEM((N_SUB * LANES,), jnp.int32),
            pltpu.VMEM((LANES, D), jnp.float32),
            pltpu.SemaphoreType.DMA,
        ],
    )(_topk_body)


def _rnn_body(q_ref, vr_ref, vc_ref, rows_ref, wih_ref, bih_ref,
              whh_ref, bhh_ref, wg_ref, bg_ref, out_ref):
    q = q_ref[...]
    vr = vr_ref[...]
    vc = vc_ref[...]
    gt = (vc > vr).astype(jnp.int32)
    rank = jnp.sum(gt, axis=0, keepdims=True)
    sel = (lax.broadcasted_iota(jnp.int32, (K, N_TILES), 0)
           == rank).astype(jnp.float32)
    retr = lax.dot_general(
        sel, rows_ref[...], (((1,), (0,)), ((), ())),
        preferred_element_type=jnp.float32, precision=_PREC)

    x = jnp.concatenate([q, retr], axis=0)
    xp = lax.dot_general(
        x, wih_ref[...], (((1,), (0,)), ((), ())),
        preferred_element_type=jnp.float32, precision=_PREC) + bih_ref[...]

    whh = whh_ref[...]
    bhh = bhh_ref[...]
    h = jnp.zeros((1, HID), jnp.float32)
    for t in range(K + 1):
        h = jnp.tanh(xp[t:t + 1, :] + lax.dot_general(
            h, whh, (((1,), (0,)), ((), ())),
            preferred_element_type=jnp.float32, precision=_PREC) + bhh)

    gate = jax.nn.sigmoid(lax.dot_general(
        q, wg_ref[...], (((1,), (0,)), ((), ())),
        preferred_element_type=jnp.float32, precision=_PREC) + bg_ref[...])
    out_ref[...] = gate * h + (1.0 - gate) * xp[0:1, :]


def _contextualize(query_vector, vals, rows, W_ih, b_ih, W_hh, b_hh,
                   W_gate, b_gate):
    full = lambda s: pl.BlockSpec(s, lambda: tuple(0 for _ in s))
    return pl.pallas_call(
        _rnn_body,
        in_specs=[
            full((1, D)), full((1, N_TILES)), full((N_TILES, 1)),
            full((N_TILES, D)), full((D, HID)), full((1, HID)),
            full((HID, HID)), full((1, HID)), full((D, HID)), full((1, HID)),
        ],
        out_specs=full((1, HID)),
        out_shape=jax.ShapeDtypeStruct((1, HID), jnp.float32),
    )(query_vector, vals.reshape(1, N_TILES), vals.reshape(N_TILES, 1),
      rows.reshape(N_TILES, D), W_ih, b_ih.reshape(1, HID), W_hh,
      b_hh.reshape(1, HID), W_gate, b_gate.reshape(1, HID))


def kernel(query_vector, memory_vectors, coords, spatial_weights,
           W_ih, b_ih, W_hh, b_hh, W_gate, b_gate):
    sim, act = _total_sim(query_vector, spatial_weights, memory_vectors,
                          coords)
    vals, rows, _, _ = _make_topk_sc()(sim.reshape(PAD_M), act.reshape(PAD_M),
                                       memory_vectors)
    return _contextualize(query_vector, vals, rows, W_ih, b_ih, W_hh, b_hh,
                          W_gate, b_gate)

# --- scband reference (transcript-rebuilt; emitter-appended) ---
"""Pipeline reference for scband-spatial-memory-bank-13486197309662 (READ-ONLY COPY).

The authoritative reference and input builder live on the scoring server;
editing this copy changes nothing except your own understanding.
"""

import jax, jax.numpy as jnp
import numpy as np

CAPACITY = 100000
INPUT_DIM = 384
HIDDEN_DIM = 384
RETRIEVAL_K = 8


def setup_inputs(seed: int = 0) -> dict:
    key = jax.random.key(seed)
    ks = jax.random.split(key, 10)
    s_in = 1.0 / np.sqrt(INPUT_DIM)
    s_h = 1.0 / np.sqrt(HIDDEN_DIM)
    return {
        "query_vector": jax.random.normal(ks[0], (1, INPUT_DIM), dtype=jnp.float32),
        "memory_vectors": jax.random.normal(ks[1], (CAPACITY, INPUT_DIM), dtype=jnp.float32),
        "coords": jax.random.normal(ks[2], (CAPACITY, 2), dtype=jnp.float32),
        "spatial_weights": jax.random.normal(ks[3], (HIDDEN_DIM, 2), dtype=jnp.float32),
        "W_ih": jax.random.normal(ks[4], (INPUT_DIM, HIDDEN_DIM), dtype=jnp.float32) * s_in,
        "b_ih": jax.random.normal(ks[5], (HIDDEN_DIM,), dtype=jnp.float32) * s_in,
        "W_hh": jax.random.normal(ks[6], (HIDDEN_DIM, HIDDEN_DIM), dtype=jnp.float32) * s_h,
        "b_hh": jax.random.normal(ks[7], (HIDDEN_DIM,), dtype=jnp.float32) * s_h,
        "W_gate": jax.random.normal(ks[8], (INPUT_DIM, HIDDEN_DIM), dtype=jnp.float32) * s_in,
        "b_gate": jax.random.normal(ks[9], (HIDDEN_DIM,), dtype=jnp.float32) * s_in,
    }


def reference(query_vector, memory_vectors, coords, spatial_weights,
              W_ih, b_ih, W_hh, b_hh, W_gate, b_gate):
    # --- spatial_activation(): geometric distance based activations ---
    center = spatial_weights.mean(axis=0)                       # (2,)
    dists = jnp.linalg.norm(coords - center[None, :], axis=1)   # (M,)
    activations = 1.0 / (1.0 + dists)                           # (M,)

    # --- retrieve_memories(): cosine similarity + spatial activation, top-k ---
    q = query_vector                                            # (1, D)
    q_norm = jnp.maximum(jnp.linalg.norm(q, axis=1, keepdims=True), 1e-8)
    m_norm = jnp.maximum(jnp.linalg.norm(memory_vectors, axis=1, keepdims=True), 1e-8)
    qn = q / q_norm
    mn = memory_vectors / m_norm
    sim = mn @ qn[0]                                            # (M,)
    total_sim = sim + activations
    _, topk_idx = jax.lax.top_k(total_sim, RETRIEVAL_K)
    retrieved = jnp.take(memory_vectors, topk_idx, axis=0)      # (K, D) gather

    # --- contextualize(): sequential RNN over [query] + retrieved ---
    inputs = jnp.concatenate([q, retrieved], axis=0)            # (K+1, D)

    def step(h, x_t):
        h_new = jnp.tanh(x_t[None, :] @ W_ih + b_ih + h @ W_hh + b_hh)
        return h_new, None

    h0 = jnp.zeros((1, HIDDEN_DIM), dtype=jnp.float32)
    h, _ = jax.lax.scan(step, h0, inputs)                       # (1, H)

    gate = jax.nn.sigmoid(q @ W_gate + b_gate)                  # (1, H)
    projected_query = q @ W_ih + b_ih                           # (1, H)
    contextualized = gate * h + (1.0 - gate) * projected_query  # (1, H)
    return contextualized

if __name__ == "__main__":
    import jax
    _d = setup_inputs()
    print(jax.jit(kernel)(*tuple(_d.values())))

</pallas_src>

<mosaic_0001>
#map = affine_map<(d0, d1) -> (0)>
#map1 = affine_map<(d0, d1) -> (0, 0)>
#map2 = affine_map<(d0, d1) -> (0, 0, 0)>
module attributes {stable_mosaic.version = 14 : i64} {
  func.func @_topk_body(%arg0: i32, %arg1: i32, %arg2: memref<102400xf32, #tpu.memory_space<hbm>>, %arg3: memref<102400xf32, #tpu.memory_space<hbm>>, %arg4: memref<100000x384xf32, #tpu.memory_space<hbm>>, %arg5: memref<2x16xf32, #tpu.memory_space<hbm>>, %arg6: memref<2x16x384xf32, #tpu.memory_space<hbm>>, %arg7: memref<512xf32, #tpu.memory_space<hbm>>, %arg8: memref<512xi32, #tpu.memory_space<hbm>>, %arg9: memref<3200xf32, #tpu.memory_space<vmem>>, %arg10: memref<3200xf32, #tpu.memory_space<vmem>>, %arg11: memref<16xf32, #tpu.memory_space<vmem>>, %arg12: memref<16xi32, #tpu.memory_space<vmem>>, %arg13: memref<256xf32, #tpu.memory_space<vmem>>, %arg14: memref<256xi32, #tpu.memory_space<vmem>>, %arg15: memref<16x384xf32, #tpu.memory_space<vmem>>, %arg16: memref<!tpu.dma_semaphore, #tpu.memory_space<semaphore_mem>>) attributes {dimension_semantics = [#tpu.dimension_semantics<core_parallel>, #tpu.dimension_semantics<subcore_parallel>], iteration_bounds = array<i64: 2, 16>, scalar_prefetch = 0 : i64, scratch_operands = 8 : i64, tpu.core_type = #tpu.core_type<sc_vector_subcore>, window_params = [{transform_indices = #map}, {transform_indices = #map}, {transform_indices = #map1}, {transform_indices = #map1}, {transform_indices = #map2}, {transform_indices = #map}, {transform_indices = #map}]} {
    %mul3A = arith.constant 16 : i32
    %mul3A_0 = arith.muli %arg0, %mul3A : i32
    %add3A = arith.addi %mul3A_0, %arg1 : i32
    %mul3A_1 = arith.constant 3200 : i32
    %mul3A_2 = arith.muli %add3A, %mul3A_1 : i32
    "tpu.region"() ({
      %run_scoped3A = tpu.sem_alloc : memref<!tpu.dma_semaphore, #tpu.memory_space<semaphore_mem>>
      %dma_start3A = tpu.memref_slice %arg2[%mul3A_2] : memref<102400xf32, #tpu.memory_space<hbm>> -> memref<3200xf32, #tpu.memory_space<hbm>>
      %dma_start3A_28 = tpu.memref_slice %arg2[%mul3A_2] : memref<102400xf32, #tpu.memory_space<hbm>> -> memref<3200xf32, #tpu.memory_space<hbm>>
      tpu.enqueue_dma source(%dma_start3A_28 : memref<3200xf32, #tpu.memory_space<hbm>>) target(%arg9 : memref<3200xf32, #tpu.memory_space<vmem>>) target_semaphore(%run_scoped3A : memref<!tpu.dma_semaphore, #tpu.memory_space<semaphore_mem>>)
      %dma_wait3A = tpu.memref_slice %arg2[%mul3A_2] : memref<102400xf32, #tpu.memory_space<hbm>> -> memref<3200xf32, #tpu.memory_space<hbm>>
      %dma_wait3A_29 = tpu.memref_slice %arg2[%mul3A_2] : memref<102400xf32, #tpu.memory_space<hbm>> -> memref<3200xf32, #tpu.memory_space<hbm>>
      tpu.wait_dma2 semaphore(%run_scoped3A : memref<!tpu.dma_semaphore, #tpu.memory_space<semaphore_mem>>) src(%dma_wait3A_29 : memref<3200xf32, #tpu.memory_space<hbm>>) dst(%arg9 : memref<3200xf32, #tpu.memory_space<vmem>>)
      tpu.yield
    }) : () -> ()
    "tpu.region"() ({
      %run_scoped3A = tpu.sem_alloc : memref<!tpu.dma_semaphore, #tpu.memory_space<semaphore_mem>>
      %dma_start3A = tpu.memref_slice %arg3[%mul3A_2] : memref<102400xf32, #tpu.memory_space<hbm>> -> memref<3200xf32, #tpu.memory_space<hbm>>
      %dma_start3A_28 = tpu.memref_slice %arg3[%mul3A_2] : memref<102400xf32, #tpu.memory_space<hbm>> -> memref<3200xf32, #tpu.memory_space<hbm>>
      tpu.enqueue_dma source(%dma_start3A_28 : memref<3200xf32, #tpu.memory_space<hbm>>) target(%arg10 : memref<3200xf32, #tpu.memory_space<vmem>>) target_semaphore(%run_scoped3A : memref<!tpu.dma_semaphore, #tpu.memory_space<semaphore_mem>>)
      %dma_wait3A = tpu.memref_slice %arg3[%mul3A_2] : memref<102400xf32, #tpu.memory_space<hbm>> -> memref<3200xf32, #tpu.memory_space<hbm>>
      %dma_wait3A_29 = tpu.memref_slice %arg3[%mul3A_2] : memref<102400xf32, #tpu.memory_space<hbm>> -> memref<3200xf32, #tpu.memory_space<hbm>>
      tpu.wait_dma2 semaphore(%run_scoped3A : memref<!tpu.dma_semaphore, #tpu.memory_space<semaphore_mem>>) src(%dma_wait3A_29 : memref<3200xf32, #tpu.memory_space<hbm>>) dst(%arg10 : memref<3200xf32, #tpu.memory_space<vmem>>)
      tpu.yield
    }) : () -> ()
    %iota3A = tpu.iota {dimensions = array<i32: 0>} : vector<16xi32>
    %broadcast_in_dim3A = arith.constant -3.000000e+38 : f32
    %broadcast_in_dim3A_3 = vector.broadcast %broadcast_in_dim3A : f32 to vector<16xf32>
    %broadcast_in_dim3A_4 = arith.constant 0 : i32
    %broadcast_in_dim3A_5 = vector.broadcast %broadcast_in_dim3A_4 : i32 to vector<16xi32>
    %scan3A = arith.constant 0 : i32
    %scan3A_6 = arith.constant 100 : i32
    %scan3A_7 = arith.addi %scan3A, %scan3A_6 : i32
    %scan3A_8 = arith.constant 1 : i32
    %scan3A_9:4 = scf.for %scan3A_28 = %scan3A to %scan3A_7 step %scan3A_8 iter_args(%scan3A_29 = %broadcast_in_dim3A_3, %scan3A_30 = %broadcast_in_dim3A_5, %scan3A_31 = %broadcast_in_dim3A_3, %scan3A_32 = %broadcast_in_dim3A_5) -> (vector<16xf32>, vector<16xi32>, vector<16xf32>, vector<16xi32>)  : i32 {
      %mul3A_33 = arith.constant 2 : i32
      %mul3A_34 = arith.muli %mul3A_33, %scan3A_28 : i32
      %mul3A_35 = arith.constant 16 : i32
      %mul3A_36 = arith.muli %mul3A_34, %mul3A_35 : i32
      %add3A_37 = arith.addi %mul3A_2, %mul3A_36 : i32
      %add3A_38 = vector.broadcast %add3A_37 : i32 to vector<16xi32>
      %add3A_39 = arith.addi %add3A_38, %iota3A : vector<16xi32>
      %lt3A = arith.constant 100000 : i32
      %lt3A_40 = vector.broadcast %lt3A : i32 to vector<16xi32>
      %lt3A_41 = arith.cmpi slt, %add3A_39, %lt3A_40 : vector<16xi32>
      %mul3A_42 = arith.constant 16 : i32
      %mul3A_43 = arith.muli %mul3A_34, %mul3A_42 : i32
      %get3A = arith.index_cast %mul3A_43 : i32 to index
      %get3A_44 = tpu.vector_load %arg9[%get3A] {strides = array<i32>} : memref<3200xf32, #tpu.memory_space<vmem>>, vector<16xf32>,
      %mul3A_45 = arith.constant 16 : i32
      %mul3A_46 = arith.muli %mul3A_34, %mul3A_45 : i32
      %get3A_47 = arith.index_cast %mul3A_46 : i32 to index
      %get3A_48 = tpu.vector_load %arg10[%get3A_47] {strides = array<i32>} : memref<3200xf32, #tpu.memory_space<vmem>>, vector<16xf32>,
      %add3A_49 = arith.addf %get3A_44, %get3A_48 : vector<16xf32>
      %jit3A = arith.constant -3.000000e+38 : f32
      %broadcast_in_dim3A_50 = vector.broadcast %jit3A : f32 to vector<16xf32>
      %select_n3A_51 = arith.select %lt3A_41, %add3A_49, %broadcast_in_dim3A_50 : vector<16xi1>, vector<16xf32>
      %mul3A_52 = arith.constant 2 : i32
      %mul3A_53 = arith.muli %mul3A_52, %scan3A_28 : i32
      %add3A_54 = arith.constant 1 : i32
      %add3A_55 = arith.addi %mul3A_53, %add3A_54 : i32
      %mul3A_56 = arith.constant 16 : i32
      %mul3A_57 = arith.muli %add3A_55, %mul3A_56 : i32
      %add3A_58 = arith.addi %mul3A_2, %mul3A_57 : i32
      %add3A_59 = vector.broadcast %add3A_58 : i32 to vector<16xi32>
      %add3A_60 = arith.addi %add3A_59, %iota3A : vector<16xi32>
      %lt3A_61 = arith.constant 100000 : i32
      %lt3A_62 = vector.broadcast %lt3A_61 : i32 to vector<16xi32>
      %lt3A_63 = arith.cmpi slt, %add3A_60, %lt3A_62 : vector<16xi32>
      %mul3A_64 = arith.constant 16 : i32
      %mul3A_65 = arith.muli %add3A_55, %mul3A_64 : i32
      %get3A_66 = arith.index_cast %mul3A_65 : i32 to index
      %get3A_67 = tpu.vector_load %arg9[%get3A_66] {strides = array<i32>} : memref<3200xf32, #tpu.memory_space<vmem>>, vector<16xf32>,
      %mul3A_68 = arith.constant 16 : i32
      %mul3A_69 = arith.muli %add3A_55, %mul3A_68 : i32
      %get3A_70 = arith.index_cast %mul3A_69 : i32 to index
      %get3A_71 = tpu.vector_load %arg10[%get3A_70] {strides = array<i32>} : memref<3200xf32, #tpu.memory_space<vmem>>, vector<16xf32>,
      %add3A_72 = arith.addf %get3A_67, %get3A_71 : vector<16xf32>
      %jit3A_73 = arith.constant -3.000000e+38 : f32
      %broadcast_in_dim3A_74 = vector.broadcast %jit3A_73 : f32 to vector<16xf32>
      %select_n3A_75 = arith.select %lt3A_63, %add3A_72, %broadcast_in_dim3A_74 : vector<16xi1>, vector<16xf32>
      %masked_sort3A_76 = arith.constant dense<true> : vector<16xi1>
      %masked_sort3A_77, %masked_sort3A_78, %masked_sort3A_79 = tpu.sort %select_n3A_51, %add3A_39 masked %masked_sort3A_76 : (vector<16xf32>, vector<16xi32>, vector<16xi1>) -> (vector<16xi1>, vector<16xf32>, vector<16xi32>)
      %masked_sort3A_80 = arith.constant dense<true> : vector<16xi1>
      %masked_sort3A_81, %masked_sort3A_82, %masked_sort3A_83 = tpu.sort %select_n3A_75, %add3A_60 masked %masked_sort3A_80 : (vector<16xf32>, vector<16xi32>, vector<16xi1>) -> (vector<16xi1>, vector<16xf32>, vector<16xi32>)
      %ge3A_84 = arith.cmpf oge, %scan3A_29, %masked_sort3A_78 : vector<16xf32>
      %select_n3A_85 = arith.select %ge3A_84, %scan3A_29, %masked_sort3A_78 : vector<16xi1>, vector<16xf32>
      %select_n3A_86 = arith.select %ge3A_84, %scan3A_30, %masked_sort3A_79 : vector<16xi1>, vector<16xi32>
      %masked_sort3A_87 = arith.constant dense<true> : vector<16xi1>
      %masked_sort3A_88, %masked_sort3A_89, %masked_sort3A_90 = tpu.sort %select_n3A_85, %select_n3A_86 masked %masked_sort3A_87 {descending = true} : (vector<16xf32>, vector<16xi32>, vector<16xi1>) -> (vector<16xi1>, vector<16xf32>, vector<16xi32>)
      %ge3A_91 = arith.cmpf oge, %scan3A_31, %masked_sort3A_82 : vector<16xf32>
      %select_n3A_92 = arith.select %ge3A_91, %scan3A_31, %masked_sort3A_82 : vector<16xi1>, vector<16xf32>
      %select_n3A_93 = arith.select %ge3A_91, %scan3A_32, %masked_sort3A_83 : vector<16xi1>, vector<16xi32>
      %masked_sort3A_94 = arith.constant dense<true> : vector<16xi1>
      %masked_sort3A_95, %masked_sort3A_96, %masked_sort3A_97 = tpu.sort %select_n3A_92, %select_n3A_93 masked %masked_sort3A_94 {descending = true} : (vector<16xf32>, vector<16xi32>, vector<16xi1>) -> (vector<16xi1>, vector<16xf32>, vector<16xi32>)
      scf.yield %masked_sort3A_89, %masked_sort3A_90, %masked_sort3A_96, %masked_sort3A_97 : vector<16xf32>, vector<16xi32>, vector<16xf32>, vector<16xi32>
    }
    %scan3A_10 = arith.constant 100 : i32
    %masked_sort3A = arith.constant dense<true> : vector<16xi1>
    %masked_sort3A_11, %masked_sort3A_12, %masked_sort3A_13 = tpu.sort %scan3A_9#2, %scan3A_9#3 masked %masked_sort3A : (vector<16xf32>, vector<16xi32>, vector<16xi1>) -> (vector<16xi1>, vector<16xf32>, vector<16xi32>)
    %ge3A = arith.cmpf oge, %scan3A_9#0, %masked_sort3A_12 : vector<16xf32>
    %select_n3A = arith.select %ge3A, %scan3A_9#0, %masked_sort3A_12 : vector<16xi1>, vector<16xf32>
    %select_n3A_14 = arith.select %ge3A, %scan3A_9#1, %masked_sort3A_13 : vector<16xi1>, vector<16xi32>
    %masked_sort3A_15 = arith.constant dense<true> : vector<16xi1>
    %masked_sort3A_16, %masked_sort3A_17, %masked_sort3A_18 = tpu.sort %select_n3A, %select_n3A_14 masked %masked_sort3A_15 {descending = true} : (vector<16xf32>, vector<16xi32>, vector<16xi1>) -> (vector<16xi1>, vector<16xf32>, vector<16xi32>)
    %swap3A = arith.constant 0 : index
    %swap3A_19 = tpu.vector_load %arg11[%swap3A] {strides = array<i32>} : memref<16xf32, #tpu.memory_space<vmem>>, vector<16xf32>,
    tpu.vector_store %arg11[%swap3A], %masked_sort3A_17 {strides = array<i32>} : memref<16xf32, #tpu.memory_space<vmem>>, vector<16xf32>,
    %swap3A_20 = arith.constant 0 : index
    %swap3A_21 = tpu.vector_load %arg12[%swap3A_20] {strides = array<i32>} : memref<16xi32, #tpu.memory_space<vmem>>, vector<16xi32>,
    tpu.vector_store %arg12[%swap3A_20], %masked_sort3A_18 {strides = array<i32>} : memref<16xi32, #tpu.memory_space<vmem>>, vector<16xi32>,
    %mul3A_22 = arith.constant 16 : i32
    %mul3A_23 = arith.muli %add3A, %mul3A_22 : i32
    "tpu.region"() ({
      %run_scoped3A = tpu.sem_alloc : memref<!tpu.dma_semaphore, #tpu.memory_space<semaphore_mem>>
      %dma_start3A = tpu.memref_slice %arg7[%mul3A_23] : memref<512xf32, #tpu.memory_space<hbm>> -> memref<16xf32, #tpu.memory_space<hbm>>
      %dma_start3A_28 = tpu.memref_slice %arg7[%mul3A_23] : memref<512xf32, #tpu.memory_space<hbm>> -> memref<16xf32, #tpu.memory_space<hbm>>
      tpu.enqueue_dma source(%arg11 : memref<16xf32, #tpu.memory_space<vmem>>) target(%dma_start3A_28 : memref<16xf32, #tpu.memory_space<hbm>>) target_semaphore(%run_scoped3A : memref<!tpu.dma_semaphore, #tpu.memory_space<semaphore_mem>>)
      %dma_wait3A = tpu.memref_slice %arg7[%mul3A_23] : memref<512xf32, #tpu.memory_space<hbm>> -> memref<16xf32, #tpu.memory_space<hbm>>
      %dma_wait3A_29 = tpu.memref_slice %arg7[%mul3A_23] : memref<512xf32, #tpu.memory_space<hbm>> -> memref<16xf32, #tpu.memory_space<hbm>>
      tpu.wait_dma2 semaphore(%run_scoped3A : memref<!tpu.dma_semaphore, #tpu.memory_space<semaphore_mem>>) src(%arg11 : memref<16xf32, #tpu.memory_space<vmem>>) dst(%dma_wait3A_29 : memref<16xf32, #tpu.memory_space<hbm>>)
      tpu.yield
    }) : () -> ()
    %mul3A_24 = arith.constant 16 : i32
    %mul3A_25 = arith.muli %add3A, %mul3A_24 : i32
    "tpu.region"() ({
      %run_scoped3A = tpu.sem_alloc : memref<!tpu.dma_semaphore, #tpu.memory_space<semaphore_mem>>
      %dma_start3A = tpu.memref_slice %arg8[%mul3A_25] : memref<512xi32, #tpu.memory_space<hbm>> -> memref<16xi32, #tpu.memory_space<hbm>>
      %dma_start3A_28 = tpu.memref_slice %arg8[%mul3A_25] : memref<512xi32, #tpu.memory_space<hbm>> -> memref<16xi32, #tpu.memory_space<hbm>>
      tpu.enqueue_dma source(%arg12 : memref<16xi32, #tpu.memory_space<vmem>>) target(%dma_start3A_28 : memref<16xi32, #tpu.memory_space<hbm>>) target_semaphore(%run_scoped3A : memref<!tpu.dma_semaphore, #tpu.memory_space<semaphore_mem>>)
      %dma_wait3A = tpu.memref_slice %arg8[%mul3A_25] : memref<512xi32, #tpu.memory_space<hbm>> -> memref<16xi32, #tpu.memory_space<hbm>>
      %dma_wait3A_29 = tpu.memref_slice %arg8[%mul3A_25] : memref<512xi32, #tpu.memory_space<hbm>> -> memref<16xi32, #tpu.memory_space<hbm>>
      tpu.wait_dma2 semaphore(%run_scoped3A : memref<!tpu.dma_semaphore, #tpu.memory_space<semaphore_mem>>) src(%arg12 : memref<16xi32, #tpu.memory_space<vmem>>) dst(%dma_wait3A_29 : memref<16xi32, #tpu.memory_space<hbm>>)
      tpu.yield
    }) : () -> ()
    %barrier3A = arith.constant 0 : index
    tpu.barrier barrier_id(%barrier3A)
    %eq3A = arith.constant 0 : i32
    %eq3A_26 = arith.cmpi eq, %arg1, %eq3A : i32
    %convert_element_type3A = arith.extui %eq3A_26 : i1 to i32
    %cond3A = arith.constant 0 : i32
    %cond3A_27 = arith.cmpi ne, %convert_element_type3A, %cond3A : i32
    scf.if %cond3A_27 {
      %mul3A_28 = arith.constant 16 : i32
      %mul3A_29 = arith.muli %arg0, %mul3A_28 : i32
      %mul3A_30 = arith.constant 16 : i32
      %mul3A_31 = arith.muli %mul3A_29, %mul3A_30 : i32
      "tpu.region"() ({
        %run_scoped3A = tpu.sem_alloc : memref<!tpu.dma_semaphore, #tpu.memory_space<semaphore_mem>>
        %dma_start3A_50 = tpu.memref_slice %arg7[%mul3A_31] : memref<512xf32, #tpu.memory_space<hbm>> -> memref<256xf32, #tpu.memory_space<hbm>>
        %dma_start3A_51 = tpu.memref_slice %arg7[%mul3A_31] : memref<512xf32, #tpu.memory_space<hbm>> -> memref<256xf32, #tpu.memory_space<hbm>>
        tpu.enqueue_dma source(%dma_start3A_51 : memref<256xf32, #tpu.memory_space<hbm>>) target(%arg13 : memref<256xf32, #tpu.memory_space<vmem>>) target_semaphore(%run_scoped3A : memref<!tpu.dma_semaphore, #tpu.memory_space<semaphore_mem>>)
        %dma_wait3A_52 = tpu.memref_slice %arg7[%mul3A_31] : memref<512xf32, #tpu.memory_space<hbm>> -> memref<256xf32, #tpu.memory_space<hbm>>
        %dma_wait3A_53 = tpu.memref_slice %arg7[%mul3A_31] : memref<512xf32, #tpu.memory_space<hbm>> -> memref<256xf32, #tpu.memory_space<hbm>>
        tpu.wait_dma2 semaphore(%run_scoped3A : memref<!tpu.dma_semaphore, #tpu.memory_space<semaphore_mem>>) src(%dma_wait3A_53 : memref<256xf32, #tpu.memory_space<hbm>>) dst(%arg13 : memref<256xf32, #tpu.memory_space<vmem>>)
        tpu.yield
      }) : () -> ()
      %mul3A_32 = arith.constant 16 : i32
      %mul3A_33 = arith.muli %arg0, %mul3A_32 : i32
      %mul3A_34 = arith.constant 16 : i32
      %mul3A_35 = arith.muli %mul3A_33, %mul3A_34 : i32
      "tpu.region"() ({
        %run_scoped3A = tpu.sem_alloc : memref<!tpu.dma_semaphore, #tpu.memory_space<semaphore_mem>>
        %dma_start3A_50 = tpu.memref_slice %arg8[%mul3A_35] : memref<512xi32, #tpu.memory_space<hbm>> -> memref<256xi32, #tpu.memory_space<hbm>>
        %dma_start3A_51 = tpu.memref_slice %arg8[%mul3A_35] : memref<512xi32, #tpu.memory_space<hbm>> -> memref<256xi32, #tpu.memory_space<hbm>>
        tpu.enqueue_dma source(%dma_start3A_51 : memref<256xi32, #tpu.memory_space<hbm>>) target(%arg14 : memref<256xi32, #tpu.memory_space<vmem>>) target_semaphore(%run_scoped3A : memref<!tpu.dma_semaphore, #tpu.memory_space<semaphore_mem>>)
        %dma_wait3A_52 = tpu.memref_slice %arg8[%mul3A_35] : memref<512xi32, #tpu.memory_space<hbm>> -> memref<256xi32, #tpu.memory_space<hbm>>
        %dma_wait3A_53 = tpu.memref_slice %arg8[%mul3A_35] : memref<512xi32, #tpu.memory_space<hbm>> -> memref<256xi32, #tpu.memory_space<hbm>>
        tpu.wait_dma2 semaphore(%run_scoped3A : memref<!tpu.dma_semaphore, #tpu.memory_space<semaphore_mem>>) src(%dma_wait3A_53 : memref<256xi32, #tpu.memory_space<hbm>>) dst(%arg14 : memref<256xi32, #tpu.memory_space<vmem>>)
        tpu.yield
      }) : () -> ()
      %scan3A_36 = arith.constant 1 : i32
      %scan3A_37 = arith.constant 15 : i32
      %scan3A_38 = arith.addi %scan3A_36, %scan3A_37 : i32
      %scan3A_39 = arith.constant 1 : i32
      %scan3A_40:2 = scf.for %scan3A_50 = %scan3A_36 to %scan3A_38 step %scan3A_39 iter_args(%scan3A_51 = %masked_sort3A_17, %scan3A_52 = %masked_sort3A_18) -> (vector<16xf32>, vector<16xi32>)  : i32 {
        %mul3A_53 = arith.constant 16 : i32
        %mul3A_54 = arith.muli %scan3A_50, %mul3A_53 : i32
        %get3A = arith.index_cast %mul3A_54 : i32 to index
        %get3A_55 = tpu.vector_load %arg13[%get3A] {strides = array<i32>} : memref<256xf32, #tpu.memory_space<vmem>>, vector<16xf32>,
        %mul3A_56 = arith.constant 16 : i32
        %mul3A_57 = arith.muli %scan3A_50, %mul3A_56 : i32
        %get3A_58 = arith.index_cast %mul3A_57 : i32 to index
        %get3A_59 = tpu.vector_load %arg14[%get3A_58] {strides = array<i32>} : memref<256xi32, #tpu.memory_space<vmem>>, vector<16xi32>,
        %masked_sort3A_60 = arith.constant dense<true> : vector<16xi1>
        %masked_sort3A_61, %masked_sort3A_62, %masked_sort3A_63 = tpu.sort %get3A_55, %get3A_59 masked %masked_sort3A_60 : (vector<16xf32>, vector<16xi32>, vector<16xi1>) -> (vector<16xi1>, vector<16xf32>, vector<16xi32>)
        %ge3A_64 = arith.cmpf oge, %scan3A_51, %masked_sort3A_62 : vector<16xf32>
        %select_n3A_65 = arith.select %ge3A_64, %scan3A_51, %masked_sort3A_62 : vector<16xi1>, vector<16xf32>
        %select_n3A_66 = arith.select %ge3A_64, %scan3A_52, %masked_sort3A_63 : vector<16xi1>, vector<16xi32>
        %masked_sort3A_67 = arith.constant dense<true> : vector<16xi1>
        %masked_sort3A_68, %masked_sort3A_69, %masked_sort3A_70 = tpu.sort %select_n3A_65, %select_n3A_66 masked %masked_sort3A_67 {descending = true} : (vector<16xf32>, vector<16xi32>, vector<16xi1>) -> (vector<16xi1>, vector<16xf32>, vector<16xi32>)
        scf.yield %masked_sort3A_69, %masked_sort3A_70 : vector<16xf32>, vector<16xi32>
      }
      %scan3A_41 = arith.constant 15 : i32
      %swap3A_42 = arith.constant 0 : index
      %swap3A_43 = tpu.vector_load %arg11[%swap3A_42] {strides = array<i32>} : memref<16xf32, #tpu.memory_space<vmem>>, vector<16xf32>,
      tpu.vector_store %arg11[%swap3A_42], %scan3A_40#0 {strides = array<i32>} : memref<16xf32, #tpu.memory_space<vmem>>, vector<16xf32>,
      %swap3A_44 = arith.constant 0 : index
      %swap3A_45 = tpu.vector_load %arg12[%swap3A_44] {strides = array<i32>} : memref<16xi32, #tpu.memory_space<vmem>>, vector<16xi32>,
      tpu.vector_store %arg12[%swap3A_44], %scan3A_40#1 {strides = array<i32>} : memref<16xi32, #tpu.memory_space<vmem>>, vector<16xi32>,
      %dma_start3A = arith.constant 0 : i32
      %dma_start3A_46 = arith.constant 0 : i32
      %dma_start3A_47 = tpu.memref_slice %arg4[%dma_start3A, %dma_start3A_46] : memref<100000x384xf32, #tpu.memory_space<hbm>> -> memref<100000x384xf32, #tpu.memory_space<hbm>>
      tpu.enqueue_indirect_dma source(%dma_start3A_47 : memref<100000x384xf32, #tpu.memory_space<hbm>>) target(%arg15 : memref<16x384xf32, #tpu.memory_space<vmem>>) offsets(%arg12 : memref<16xi32, #tpu.memory_space<vmem>>) semaphore(%arg16 : memref<!tpu.dma_semaphore, #tpu.memory_space<semaphore_mem>>)
      %dma_wait3A = arith.constant 0 : i32
      %dma_wait3A_48 = arith.constant 0 : i32
      %dma_wait3A_49 = tpu.memref_slice %arg4[%dma_wait3A, %dma_wait3A_48] : memref<100000x384xf32, #tpu.memory_space<hbm>> -> memref<100000x384xf32, #tpu.memory_space<hbm>>
      tpu.wait_indirect_dma semaphore(%arg16 : memref<!tpu.dma_semaphore, #tpu.memory_space<semaphore_mem>>) src(%dma_wait3A_49 : memref<100000x384xf32, #tpu.memory_space<hbm>>) dst(%arg15 : memref<16x384xf32, #tpu.memory_space<vmem>>)
      "tpu.region"() ({
        %run_scoped3A = tpu.sem_alloc : memref<!tpu.dma_semaphore, #tpu.memory_space<semaphore_mem>>
        %dma_start3A_50 = arith.constant 0 : i32
        %dma_start3A_51 = tpu.memref_slice %arg5[%arg0, %dma_start3A_50] : memref<2x16xf32, #tpu.memory_space<hbm>> -> memref<1x16xf32, #tpu.memory_space<hbm>>
        %dma_start3A_52 = tpu.memref_squeeze %dma_start3A_51 : memref<1x16xf32, #tpu.memory_space<hbm>> -> memref<16xf32, #tpu.memory_space<hbm>>
        %dma_start3A_53 = arith.constant 0 : i32
        %dma_start3A_54 = tpu.memref_slice %arg5[%arg0, %dma_start3A_53] : memref<2x16xf32, #tpu.memory_space<hbm>> -> memref<1x16xf32, #tpu.memory_space<hbm>>
        %dma_start3A_55 = tpu.memref_squeeze %dma_start3A_54 : memref<1x16xf32, #tpu.memory_space<hbm>> -> memref<16xf32, #tpu.memory_space<hbm>>
        tpu.enqueue_dma source(%arg11 : memref<16xf32, #tpu.memory_space<vmem>>) target(%dma_start3A_55 : memref<16xf32, #tpu.memory_space<hbm>>) target_semaphore(%run_scoped3A : memref<!tpu.dma_semaphore, #tpu.memory_space<semaphore_mem>>)
        %dma_wait3A_56 = arith.constant 0 : i32
        %dma_wait3A_57 = tpu.memref_slice %arg5[%arg0, %dma_wait3A_56] : memref<2x16xf32, #tpu.memory_space<hbm>> -> memref<1x16xf32, #tpu.memory_space<hbm>>
        %dma_wait3A_58 = tpu.memref_squeeze %dma_wait3A_57 : memref<1x16xf32, #tpu.memory_space<hbm>> -> memref<16xf32, #tpu.memory_space<hbm>>
        %dma_wait3A_59 = arith.constant 0 : i32
        %dma_wait3A_60 = tpu.memref_slice %arg5[%arg0, %dma_wait3A_59] : memref<2x16xf32, #tpu.memory_space<hbm>> -> memref<1x16xf32, #tpu.memory_space<hbm>>
        %dma_wait3A_61 = tpu.memref_squeeze %dma_wait3A_60 : memref<1x16xf32, #tpu.memory_space<hbm>> -> memref<16xf32, #tpu.memory_space<hbm>>
        tpu.wait_dma2 semaphore(%run_scoped3A : memref<!tpu.dma_semaphore, #tpu.memory_space<semaphore_mem>>) src(%arg11 : memref<16xf32, #tpu.memory_space<vmem>>) dst(%dma_wait3A_61 : memref<16xf32, #tpu.memory_space<hbm>>)
        tpu.yield
      }) : () -> ()
      "tpu.region"() ({
        %run_scoped3A = tpu.sem_alloc : memref<!tpu.dma_semaphore, #tpu.memory_space<semaphore_mem>>
        %dma_start3A_50 = arith.constant 0 : i32
        %dma_start3A_51 = arith.constant 0 : i32
        %dma_start3A_52 = tpu.memref_slice %arg6[%arg0, %dma_start3A_50, %dma_start3A_51] : memref<2x16x384xf32, #tpu.memory_space<hbm>> -> memref<1x16x384xf32, #tpu.memory_space<hbm>>
        %dma_start3A_53 = tpu.memref_squeeze %dma_start3A_52 : memref<1x16x384xf32, #tpu.memory_space<hbm>> -> memref<16x384xf32, #tpu.memory_space<hbm>>
        %dma_start3A_54 = arith.constant 0 : i32
        %dma_start3A_55 = arith.constant 0 : i32
        %dma_start3A_56 = tpu.memref_slice %arg6[%arg0, %dma_start3A_54, %dma_start3A_55] : memref<2x16x384xf32, #tpu.memory_space<hbm>> -> memref<1x16x384xf32, #tpu.memory_space<hbm>>
        %dma_start3A_57 = tpu.memref_squeeze %dma_start3A_56 : memref<1x16x384xf32, #tpu.memory_space<hbm>> -> memref<16x384xf32, #tpu.memory_space<hbm>>
        tpu.enqueue_dma source(%arg15 : memref<16x384xf32, #tpu.memory_space<vmem>>) target(%dma_start3A_57 : memref<16x384xf32, #tpu.memory_space<hbm>>) target_semaphore(%run_scoped3A : memref<!tpu.dma_semaphore, #tpu.memory_space<semaphore_mem>>)
        %dma_wait3A_58 = arith.constant 0 : i32
        %dma_wait3A_59 = arith.constant 0 : i32
        %dma_wait3A_60 = tpu.memref_slice %arg6[%arg0, %dma_wait3A_58, %dma_wait3A_59] : memref<2x16x384xf32, #tpu.memory_space<hbm>> -> memref<1x16x384xf32, #tpu.memory_space<hbm>>
        %dma_wait3A_61 = tpu.memref_squeeze %dma_wait3A_60 : memref<1x16x384xf32, #tpu.memory_space<hbm>> -> memref<16x384xf32, #tpu.memory_space<hbm>>
        %dma_wait3A_62 = arith.constant 0 : i32
        %dma_wait3A_63 = arith.constant 0 : i32
        %dma_wait3A_64 = tpu.memref_slice %arg6[%arg0, %dma_wait3A_62, %dma_wait3A_63] : memref<2x16x384xf32, #tpu.memory_space<hbm>> -> memref<1x16x384xf32, #tpu.memory_space<hbm>>
        %dma_wait3A_65 = tpu.memref_squeeze %dma_wait3A_64 : memref<1x16x384xf32, #tpu.memory_space<hbm>> -> memref<16x384xf32, #tpu.memory_space<hbm>>
        tpu.wait_dma2 semaphore(%run_scoped3A : memref<!tpu.dma_semaphore, #tpu.memory_space<semaphore_mem>>) src(%arg15 : memref<16x384xf32, #tpu.memory_space<vmem>>) dst(%dma_wait3A_65 : memref<16x384xf32, #tpu.memory_space<hbm>>)
        tpu.yield
      }) : () -> ()
    } else {
    }
    return
  }
}

module attributes {stable_mosaic.version = 14 : i64} {
  func.func @_sim_body(%arg0: i32, %arg1: memref<1x384xf32, #tpu.memory_space<vmem>>, %arg2: memref<384x2xf32, #tpu.memory_space<vmem>>, %arg3: memref<5120x384xf32, #tpu.memory_space<vmem>>, %arg4: memref<2x40x128xf32, #tpu.memory_space<vmem>>, %arg5: memref<5120x1xf32, #tpu.memory_space<vmem>>, %arg6: memref<40x128xf32, #tpu.memory_space<vmem>>) attributes {dimension_semantics = [#tpu.dimension_semantics<arbitrary>], iteration_bounds = array<i64: 20>, scalar_prefetch = 0 : i64, scratch_operands = 0 : i64, tpu.core_type = #tpu.core_type<tc>, window_params = [{pipeline_mode = #tpu.pipeline_mode<synchronous>, transform_indices = @transform_0, window_bounds = array<i64: 1, 384>}, {pipeline_mode = #tpu.pipeline_mode<synchronous>, transform_indices = @transform_1, window_bounds = array<i64: 384, 2>}, {transform_indices = @transform_2, window_bounds = array<i64: 5120, 384>}, {transform_indices = @transform_3, window_bounds = array<i64: 2, 40, 128>}, {transform_indices = @transform_4, window_bounds = array<i64: 5120, 1>}, {transform_indices = @transform_5, window_bounds = array<i64: 40, 128>}]} {
    %get3A = arith.constant 0 : index
    %get3A_0 = arith.constant 0 : index
    %get3A_1 = vector.load %arg1[%get3A, %get3A_0] : memref<1x384xf32, #tpu.memory_space<vmem>>, vector<1x384xf32>
    %mul3A = arith.mulf %get3A_1, %get3A_1 : vector<1x384xf32>
    %reduce_sum3A = vector.shape_cast %mul3A : vector<1x384xf32> to vector<1x1x384xf32>
    %reduce_sum3A_2 = arith.constant dense<0.000000e+00> : vector<1xf32>
    %reduce_sum3A_3 = vector.multi_reduction <add>, %reduce_sum3A, %reduce_sum3A_2 [1, 2] : vector<1x1x384xf32> to vector<1xf32>
    %reduce_sum3A_4 = vector.shape_cast %reduce_sum3A_3 : vector<1xf32> to vector<1x1x1xf32>
    %reduce_sum3A_5 = vector.extract %reduce_sum3A_4[0, 0, 0] : f32 from vector<1x1x1xf32>
    %sqrt3A = math.sqrt %reduce_sum3A_5 : f32
    %max3A = arith.constant 9.99999993E-9 : f32
    %max3A_6 = arith.maximumf %sqrt3A, %max3A : f32
    %div3A = vector.broadcast %max3A_6 : f32 to vector<1x384xf32>
    %div3A_7 = arith.divf %get3A_1, %div3A : vector<1x384xf32>
    %get3A_8 = arith.constant 0 : index
    %get3A_9 = arith.constant 0 : index
    %get3A_10 = vector.load %arg3[%get3A_8, %get3A_9] : memref<5120x384xf32, #tpu.memory_space<vmem>>, vector<5120x384xf32>
    %dot_general3A = arith.constant dense<0.000000e+00> : vector<5120x1xf32>
    %dot_general3A_11 = tpu.matmul %get3A_10, %div3A_7, %dot_general3A {dimension_numbers = #tpu.dot_dimension_numbers<[1], [1], [0], [0], [0, 0, 1, 0], [], []>, precision = #tpu.contract_precision<fp32>, transpose_lhs_hint = false} : vector<5120x384xf32>, vector<1x384xf32>, vector<5120x1xf32> -> vector<5120x1xf32>
    %broadcast_in_dim3A = arith.constant 1.000000e+00 : f32
    %broadcast_in_dim3A_12 = vector.broadcast %broadcast_in_dim3A : f32 to vector<1x384xf32>
    %mul3A_13 = arith.mulf %get3A_10, %get3A_10 : vector<5120x384xf32>
    %dot_general3A_14 = arith.constant dense<0.000000e+00> : vector<5120x1xf32>
    %dot_general3A_15 = tpu.matmul %mul3A_13, %broadcast_in_dim3A_12, %dot_general3A_14 {dimension_numbers = #tpu.dot_dimension_numbers<[1], [1], [0], [0], [0, 0, 1, 0], [], []>, precision = #tpu.contract_precision<fp32>, transpose_lhs_hint = false} : vector<5120x384xf32>, vector<1x384xf32>, vector<5120x1xf32> -> vector<5120x1xf32>
    %max3A_16 = arith.constant 1.000000e-16 : f32
    %max3A_17 = vector.broadcast %max3A_16 : f32 to vector<5120x1xf32>
    %max3A_18 = arith.maximumf %dot_general3A_15, %max3A_17 : vector<5120x1xf32>
    %rsqrt3A = math.rsqrt %max3A_18 : vector<5120x1xf32>
    %mul3A_19 = arith.mulf %dot_general3A_11, %rsqrt3A : vector<5120x1xf32>
    %swap3A = arith.constant 0 : index
    %swap3A_20 = arith.constant 0 : index
    %swap3A_21 = vector.load %arg5[%swap3A, %swap3A_20] : memref<5120x1xf32, #tpu.memory_space<vmem>>, vector<5120x1xf32>
    tpu.vector_store %arg5[%swap3A, %swap3A_20], %mul3A_19 {strides = array<i32>} : memref<5120x1xf32, #tpu.memory_space<vmem>>, vector<5120x1xf32>,
    %get3A_22 = arith.constant 0 : index
    %get3A_23 = arith.constant 0 : index
    %get3A_24 = vector.load %arg2[%get3A_22, %get3A_23] : memref<384x2xf32, #tpu.memory_space<vmem>>, vector<384x2xf32>
    %slice3A = vector.extract_strided_slice %get3A_24 {offsets = [0, 0], sizes = [384, 1], strides = [1, 1]} : vector<384x2xf32> to vector<384x1xf32>
    %squeeze3A = vector.shape_cast %slice3A : vector<384x1xf32> to vector<384xf32>
    %reduce_sum3A_25 = vector.shape_cast %squeeze3A : vector<384xf32> to vector<1x384xf32>
    %reduce_sum3A_26 = arith.constant dense<0.000000e+00> : vector<1xf32>
    %reduce_sum3A_27 = vector.multi_reduction <add>, %reduce_sum3A_25, %reduce_sum3A_26 [1] : vector<1x384xf32> to vector<1xf32>
    %reduce_sum3A_28 = vector.shape_cast %reduce_sum3A_27 : vector<1xf32> to vector<1x1xf32>
    %reduce_sum3A_29 = vector.extract %reduce_sum3A_28[0, 0] : f32 from vector<1x1xf32>
    %div3A_30 = arith.constant 3.840000e+02 : f32
    %div3A_31 = arith.divf %reduce_sum3A_29, %div3A_30 : f32
    %slice3A_32 = vector.extract_strided_slice %get3A_24 {offsets = [0, 1], sizes = [384, 1], strides = [1, 1]} : vector<384x2xf32> to vector<384x1xf32>
    %squeeze3A_33 = vector.shape_cast %slice3A_32 : vector<384x1xf32> to vector<384xf32>
    %reduce_sum3A_34 = vector.shape_cast %squeeze3A_33 : vector<384xf32> to vector<1x384xf32>
    %reduce_sum3A_35 = arith.constant dense<0.000000e+00> : vector<1xf32>
    %reduce_sum3A_36 = vector.multi_reduction <add>, %reduce_sum3A_34, %reduce_sum3A_35 [1] : vector<1x384xf32> to vector<1xf32>
    %reduce_sum3A_37 = vector.shape_cast %reduce_sum3A_36 : vector<1xf32> to vector<1x1xf32>
    %reduce_sum3A_38 = vector.extract %reduce_sum3A_37[0, 0] : f32 from vector<1x1xf32>
    %div3A_39 = arith.constant 3.840000e+02 : f32
    %div3A_40 = arith.divf %reduce_sum3A_38, %div3A_39 : f32
    %get3A_41 = arith.constant 0 : index
    %get3A_42 = arith.constant 0 : index
    %get3A_43 = arith.constant 0 : index
    %get3A_44 = vector.load %arg4[%get3A_41, %get3A_42, %get3A_43] : memref<2x40x128xf32, #tpu.memory_space<vmem>>, vector<2x40x128xf32>
    %slice3A_45 = vector.extract_strided_slice %get3A_44 {offsets = [0, 0, 0], sizes = [1, 40, 128], strides = [1, 1, 1]} : vector<2x40x128xf32> to vector<1x40x128xf32>
    %squeeze3A_46 = vector.shape_cast %slice3A_45 : vector<1x40x128xf32> to vector<40x128xf32>
    %sub3A = vector.broadcast %div3A_31 : f32 to vector<40x128xf32>
    %sub3A_47 = arith.subf %squeeze3A_46, %sub3A : vector<40x128xf32>
    %slice3A_48 = vector.extract_strided_slice %get3A_44 {offsets = [1, 0, 0], sizes = [1, 40, 128], strides = [1, 1, 1]} : vector<2x40x128xf32> to vector<1x40x128xf32>
    %squeeze3A_49 = vector.shape_cast %slice3A_48 : vector<1x40x128xf32> to vector<40x128xf32>
    %sub3A_50 = vector.broadcast %div3A_40 : f32 to vector<40x128xf32>
    %sub3A_51 = arith.subf %squeeze3A_49, %sub3A_50 : vector<40x128xf32>
    %mul3A_52 = arith.mulf %sub3A_47, %sub3A_47 : vector<40x128xf32>
    %mul3A_53 = arith.mulf %sub3A_51, %sub3A_51 : vector<40x128xf32>
    %add3A = arith.addf %mul3A_52, %mul3A_53 : vector<40x128xf32>
    %sqrt3A_54 = math.sqrt %add3A : vector<40x128xf32>
    %add3A_55 = arith.constant 1.000000e+00 : f32
    %add3A_56 = vector.broadcast %add3A_55 : f32 to vector<40x128xf32>
    %add3A_57 = arith.addf %add3A_56, %sqrt3A_54 : vector<40x128xf32>
    %div3A_58 = arith.constant 1.000000e+00 : f32
    %div3A_59 = vector.broadcast %div3A_58 : f32 to vector<40x128xf32>
    %div3A_60 = arith.divf %div3A_59, %add3A_57 : vector<40x128xf32>
    %swap3A_61 = arith.constant 0 : index
    %swap3A_62 = arith.constant 0 : index
    %swap3A_63 = vector.load %arg6[%swap3A_61, %swap3A_62] : memref<40x128xf32, #tpu.memory_space<vmem>>, vector<40x128xf32>
    tpu.vector_store %arg6[%swap3A_61, %swap3A_62], %div3A_60 {strides = array<i32>} : memref<40x128xf32, #tpu.memory_space<vmem>>, vector<40x128xf32>,
    return
  }
  func.func @transform_0(%arg0: i32) -> (i32, i32) {
    %c0_i32 = arith.constant 0 : i32
    %c0_i32_0 = arith.constant 0 : i32
    %c0_i32_1 = arith.constant 0 : i32
    return %c0_i32, %c0_i32_0 : i32, i32
  }
  func.func @transform_1(%arg0: i32) -> (i32, i32) {
    %c0_i32 = arith.constant 0 : i32
    %c0_i32_0 = arith.constant 0 : i32
    %c0_i32_1 = arith.constant 0 : i32
    return %c0_i32, %c0_i32_0 : i32, i32
  }
  func.func @transform_2(%arg0: i32) -> (i32, i32) {
    %c0_i32 = arith.constant 0 : i32
    %c0_i32_0 = arith.constant 0 : i32
    return %arg0, %c0_i32 : i32, i32
  }
  func.func @transform_3(%arg0: i32) -> (i32, i32, i32) {
    %c0_i32 = arith.constant 0 : i32
    %c0_i32_0 = arith.constant 0 : i32
    %c0_i32_1 = arith.constant 0 : i32
    return %c0_i32, %arg0, %c0_i32_0 : i32, i32, i32
  }
  func.func @transform_4(%arg0: i32) -> (i32, i32) {
    %c0_i32 = arith.constant 0 : i32
    %c0_i32_0 = arith.constant 0 : i32
    return %arg0, %c0_i32 : i32, i32
  }
  func.func @transform_5(%arg0: i32) -> (i32, i32) {
    %c0_i32 = arith.constant 0 : i32
    %c0_i32_0 = arith.constant 0 : i32
    return %arg0, %c0_i32 : i32, i32
  }
}

module attributes {stable_mosaic.version = 14 : i64} {
  func.func @_rnn_body(%arg0: memref<1x384xf32, #tpu.memory_space<vmem>>, %arg1: memref<1x32xf32, #tpu.memory_space<vmem>>, %arg2: memref<32x1xf32, #tpu.memory_space<vmem>>, %arg3: memref<32x384xf32, #tpu.memory_space<vmem>>, %arg4: memref<384x384xf32, #tpu.memory_space<vmem>>, %arg5: memref<1x384xf32, #tpu.memory_space<vmem>>, %arg6: memref<384x384xf32, #tpu.memory_space<vmem>>, %arg7: memref<1x384xf32, #tpu.memory_space<vmem>>, %arg8: memref<384x384xf32, #tpu.memory_space<vmem>>, %arg9: memref<1x384xf32, #tpu.memory_space<vmem>>, %arg10: memref<1x384xf32, #tpu.memory_space<vmem>>) attributes {dimension_semantics = [], scalar_prefetch = 0 : i64, scratch_operands = 0 : i64, tpu.core_type = #tpu.core_type<tc>} {
    %get3A = arith.constant 0 : index
    %get3A_0 = arith.constant 0 : index
    %get3A_1 = vector.load %arg0[%get3A, %get3A_0] : memref<1x384xf32, #tpu.memory_space<vmem>>, vector<1x384xf32>
    %get3A_2 = arith.constant 0 : index
    %get3A_3 = arith.constant 0 : index
    %get3A_4 = vector.load %arg1[%get3A_2, %get3A_3] : memref<1x32xf32, #tpu.memory_space<vmem>>, vector<1x32xf32>
    %get3A_5 = arith.constant 0 : index
    %get3A_6 = arith.constant 0 : index
    %get3A_7 = vector.load %arg2[%get3A_5, %get3A_6] : memref<32x1xf32, #tpu.memory_space<vmem>>, vector<32x1xf32>
    %gt3A = vector.broadcast %get3A_7 : vector<32x1xf32> to vector<32x32xf32>
    %gt3A_8 = vector.broadcast %get3A_4 : vector<1x32xf32> to vector<32x32xf32>
    %gt3A_9 = arith.cmpf ogt, %gt3A, %gt3A_8 : vector<32x32xf32>
    %convert_element_type3A = arith.extui %gt3A_9 : vector<32x32xi1> to vector<32x32xi32>
    %reduce_sum3A = arith.constant dense<0> : vector<32xi32>
    %reduce_sum3A_10 = vector.multi_reduction <add>, %convert_element_type3A, %reduce_sum3A [0] : vector<32x32xi32> to vector<32xi32>
    %broadcast_in_dim3A = vector.shape_cast %reduce_sum3A_10 : vector<32xi32> to vector<1x32xi32>
    %iota3A = tpu.iota {dimensions = array<i32: 0>} : vector<8x32xi32>
    %eq3A = vector.broadcast %broadcast_in_dim3A : vector<1x32xi32> to vector<8x32xi32>
    %eq3A_11 = arith.cmpi eq, %iota3A, %eq3A : vector<8x32xi32>
    %convert_element_type3A_12 = arith.extui %eq3A_11 : vector<8x32xi1> to vector<8x32xi32>
    %convert_element_type3A_13 = arith.sitofp %convert_element_type3A_12 : vector<8x32xi32> to vector<8x32xf32>
    %get3A_14 = arith.constant 0 : index
    %get3A_15 = arith.constant 0 : index
    %get3A_16 = vector.load %arg3[%get3A_14, %get3A_15] : memref<32x384xf32, #tpu.memory_space<vmem>>, vector<32x384xf32>
    %dot_general3A = arith.constant dense<0.000000e+00> : vector<8x384xf32>
    %dot_general3A_17 = tpu.matmul %convert_element_type3A_13, %get3A_16, %dot_general3A {dimension_numbers = #tpu.dot_dimension_numbers<[1], [0], [0], [1], [0, 0, 1, 1], [], []>, precision = #tpu.contract_precision<fp32>, transpose_lhs_hint = false} : vector<8x32xf32>, vector<32x384xf32>, vector<8x384xf32> -> vector<8x384xf32>
    %concatenate3A = tpu.concatenate %get3A_1, %dot_general3A_17 in 0 : vector<1x384xf32>, vector<8x384xf32> -> vector<9x384xf32>
    %get3A_18 = arith.constant 0 : index
    %get3A_19 = arith.constant 0 : index
    %get3A_20 = vector.load %arg4[%get3A_18, %get3A_19] : memref<384x384xf32, #tpu.memory_space<vmem>>, vector<384x384xf32>
    %dot_general3A_21 = arith.constant dense<0.000000e+00> : vector<9x384xf32>
    %dot_general3A_22 = tpu.matmul %concatenate3A, %get3A_20, %dot_general3A_21 {dimension_numbers = #tpu.dot_dimension_numbers<[1], [0], [0], [1], [0, 0, 1, 1], [], []>, precision = #tpu.contract_precision<fp32>, transpose_lhs_hint = false} : vector<9x384xf32>, vector<384x384xf32>, vector<9x384xf32> -> vector<9x384xf32>
    %get3A_23 = arith.constant 0 : index
    %get3A_24 = arith.constant 0 : index
    %get3A_25 = vector.load %arg5[%get3A_23, %get3A_24] : memref<1x384xf32, #tpu.memory_space<vmem>>, vector<1x384xf32>
    %add3A = vector.broadcast %get3A_25 : vector<1x384xf32> to vector<9x384xf32>
    %add3A_26 = arith.addf %dot_general3A_22, %add3A : vector<9x384xf32>
    %get3A_27 = arith.constant 0 : index
    %get3A_28 = arith.constant 0 : index
    %get3A_29 = vector.load %arg6[%get3A_27, %get3A_28] : memref<384x384xf32, #tpu.memory_space<vmem>>, vector<384x384xf32>
    %get3A_30 = arith.constant 0 : index
    %get3A_31 = arith.constant 0 : index
    %get3A_32 = vector.load %arg7[%get3A_30, %get3A_31] : memref<1x384xf32, #tpu.memory_space<vmem>>, vector<1x384xf32>
    %broadcast_in_dim3A_33 = arith.constant 0.000000e+00 : f32
    %broadcast_in_dim3A_34 = vector.broadcast %broadcast_in_dim3A_33 : f32 to vector<1x384xf32>
    %slice3A = vector.extract_strided_slice %add3A_26 {offsets = [0, 0], sizes = [1, 384], strides = [1, 1]} : vector<9x384xf32> to vector<1x384xf32>
    %dot_general3A_35 = arith.constant dense<0.000000e+00> : vector<1x384xf32>
    %dot_general3A_36 = tpu.matmul %broadcast_in_dim3A_34, %get3A_29, %dot_general3A_35 {dimension_numbers = #tpu.dot_dimension_numbers<[1], [0], [0], [1], [0, 0, 1, 1], [], []>, precision = #tpu.contract_precision<fp32>, transpose_lhs_hint = false} : vector<1x384xf32>, vector<384x384xf32>, vector<1x384xf32> -> vector<1x384xf32>
    %add3A_37 = arith.addf %slice3A, %dot_general3A_36 : vector<1x384xf32>
    %add3A_38 = arith.addf %add3A_37, %get3A_32 : vector<1x384xf32>
    %tanh3A = math.tanh %add3A_38 : vector<1x384xf32>
    %slice3A_39 = vector.extract_strided_slice %add3A_26 {offsets = [1, 0], sizes = [1, 384], strides = [1, 1]} : vector<9x384xf32> to vector<1x384xf32>
    %dot_general3A_40 = arith.constant dense<0.000000e+00> : vector<1x384xf32>
    %dot_general3A_41 = tpu.matmul %tanh3A, %get3A_29, %dot_general3A_40 {dimension_numbers = #tpu.dot_dimension_numbers<[1], [0], [0], [1], [0, 0, 1, 1], [], []>, precision = #tpu.contract_precision<fp32>, transpose_lhs_hint = false} : vector<1x384xf32>, vector<384x384xf32>, vector<1x384xf32> -> vector<1x384xf32>
    %add3A_42 = arith.addf %slice3A_39, %dot_general3A_41 : vector<1x384xf32>
    %add3A_43 = arith.addf %add3A_42, %get3A_32 : vector<1x384xf32>
    %tanh3A_44 = math.tanh %add3A_43 : vector<1x384xf32>
    %slice3A_45 = vector.extract_strided_slice %add3A_26 {offsets = [2, 0], sizes = [1, 384], strides = [1, 1]} : vector<9x384xf32> to vector<1x384xf32>
    %dot_general3A_46 = arith.constant dense<0.000000e+00> : vector<1x384xf32>
    %dot_general3A_47 = tpu.matmul %tanh3A_44, %get3A_29, %dot_general3A_46 {dimension_numbers = #tpu.dot_dimension_numbers<[1], [0], [0], [1], [0, 0, 1, 1], [], []>, precision = #tpu.contract_precision<fp32>, transpose_lhs_hint = false} : vector<1x384xf32>, vector<384x384xf32>, vector<1x384xf32> -> vector<1x384xf32>
    %add3A_48 = arith.addf %slice3A_45, %dot_general3A_47 : vector<1x384xf32>
    %add3A_49 = arith.addf %add3A_48, %get3A_32 : vector<1x384xf32>
    %tanh3A_50 = math.tanh %add3A_49 : vector<1x384xf32>
    %slice3A_51 = vector.extract_strided_slice %add3A_26 {offsets = [3, 0], sizes = [1, 384], strides = [1, 1]} : vector<9x384xf32> to vector<1x384xf32>
    %dot_general3A_52 = arith.constant dense<0.000000e+00> : vector<1x384xf32>
    %dot_general3A_53 = tpu.matmul %tanh3A_50, %get3A_29, %dot_general3A_52 {dimension_numbers = #tpu.dot_dimension_numbers<[1], [0], [0], [1], [0, 0, 1, 1], [], []>, precision = #tpu.contract_precision<fp32>, transpose_lhs_hint = false} : vector<1x384xf32>, vector<384x384xf32>, vector<1x384xf32> -> vector<1x384xf32>
    %add3A_54 = arith.addf %slice3A_51, %dot_general3A_53 : vector<1x384xf32>
    %add3A_55 = arith.addf %add3A_54, %get3A_32 : vector<1x384xf32>
    %tanh3A_56 = math.tanh %add3A_55 : vector<1x384xf32>
    %slice3A_57 = vector.extract_strided_slice %add3A_26 {offsets = [4, 0], sizes = [1, 384], strides = [1, 1]} : vector<9x384xf32> to vector<1x384xf32>
    %dot_general3A_58 = arith.constant dense<0.000000e+00> : vector<1x384xf32>
    %dot_general3A_59 = tpu.matmul %tanh3A_56, %get3A_29, %dot_general3A_58 {dimension_numbers = #tpu.dot_dimension_numbers<[1], [0], [0], [1], [0, 0, 1, 1], [], []>, precision = #tpu.contract_precision<fp32>, transpose_lhs_hint = false} : vector<1x384xf32>, vector<384x384xf32>, vector<1x384xf32> -> vector<1x384xf32>
    %add3A_60 = arith.addf %slice3A_57, %dot_general3A_59 : vector<1x384xf32>
    %add3A_61 = arith.addf %add3A_60, %get3A_32 : vector<1x384xf32>
    %tanh3A_62 = math.tanh %add3A_61 : vector<1x384xf32>
    %slice3A_63 = vector.extract_strided_slice %add3A_26 {offsets = [5, 0], sizes = [1, 384], strides = [1, 1]} : vector<9x384xf32> to vector<1x384xf32>
    %dot_general3A_64 = arith.constant dense<0.000000e+00> : vector<1x384xf32>
    %dot_general3A_65 = tpu.matmul %tanh3A_62, %get3A_29, %dot_general3A_64 {dimension_numbers = #tpu.dot_dimension_numbers<[1], [0], [0], [1], [0, 0, 1, 1], [], []>, precision = #tpu.contract_precision<fp32>, transpose_lhs_hint = false} : vector<1x384xf32>, vector<384x384xf32>, vector<1x384xf32> -> vector<1x384xf32>
    %add3A_66 = arith.addf %slice3A_63, %dot_general3A_65 : vector<1x384xf32>
    %add3A_67 = arith.addf %add3A_66, %get3A_32 : vector<1x384xf32>
    %tanh3A_68 = math.tanh %add3A_67 : vector<1x384xf32>
    %slice3A_69 = vector.extract_strided_slice %add3A_26 {offsets = [6, 0], sizes = [1, 384], strides = [1, 1]} : vector<9x384xf32> to vector<1x384xf32>
    %dot_general3A_70 = arith.constant dense<0.000000e+00> : vector<1x384xf32>
    %dot_general3A_71 = tpu.matmul %tanh3A_68, %get3A_29, %dot_general3A_70 {dimension_numbers = #tpu.dot_dimension_numbers<[1], [0], [0], [1], [0, 0, 1, 1], [], []>, precision = #tpu.contract_precision<fp32>, transpose_lhs_hint = false} : vector<1x384xf32>, vector<384x384xf32>, vector<1x384xf32> -> vector<1x384xf32>
    %add3A_72 = arith.addf %slice3A_69, %dot_general3A_71 : vector<1x384xf32>
    %add3A_73 = arith.addf %add3A_72, %get3A_32 : vector<1x384xf32>
    %tanh3A_74 = math.tanh %add3A_73 : vector<1x384xf32>
    %slice3A_75 = vector.extract_strided_slice %add3A_26 {offsets = [7, 0], sizes = [1, 384], strides = [1, 1]} : vector<9x384xf32> to vector<1x384xf32>
    %dot_general3A_76 = arith.constant dense<0.000000e+00> : vector<1x384xf32>
    %dot_general3A_77 = tpu.matmul %tanh3A_74, %get3A_29, %dot_general3A_76 {dimension_numbers = #tpu.dot_dimension_numbers<[1], [0], [0], [1], [0, 0, 1, 1], [], []>, precision = #tpu.contract_precision<fp32>, transpose_lhs_hint = false} : vector<1x384xf32>, vector<384x384xf32>, vector<1x384xf32> -> vector<1x384xf32>
    %add3A_78 = arith.addf %slice3A_75, %dot_general3A_77 : vector<1x384xf32>
    %add3A_79 = arith.addf %add3A_78, %get3A_32 : vector<1x384xf32>
    %tanh3A_80 = math.tanh %add3A_79 : vector<1x384xf32>
    %slice3A_81 = vector.extract_strided_slice %add3A_26 {offsets = [8, 0], sizes = [1, 384], strides = [1, 1]} : vector<9x384xf32> to vector<1x384xf32>
    %dot_general3A_82 = arith.constant dense<0.000000e+00> : vector<1x384xf32>
    %dot_general3A_83 = tpu.matmul %tanh3A_80, %get3A_29, %dot_general3A_82 {dimension_numbers = #tpu.dot_dimension_numbers<[1], [0], [0], [1], [0, 0, 1, 1], [], []>, precision = #tpu.contract_precision<fp32>, transpose_lhs_hint = false} : vector<1x384xf32>, vector<384x384xf32>, vector<1x384xf32> -> vector<1x384xf32>
    %add3A_84 = arith.addf %slice3A_81, %dot_general3A_83 : vector<1x384xf32>
    %add3A_85 = arith.addf %add3A_84, %get3A_32 : vector<1x384xf32>
    %tanh3A_86 = math.tanh %add3A_85 : vector<1x384xf32>
    %get3A_87 = arith.constant 0 : index
    %get3A_88 = arith.constant 0 : index
    %get3A_89 = vector.load %arg8[%get3A_87, %get3A_88] : memref<384x384xf32, #tpu.memory_space<vmem>>, vector<384x384xf32>
    %dot_general3A_90 = arith.constant dense<0.000000e+00> : vector<1x384xf32>
    %dot_general3A_91 = tpu.matmul %get3A_1, %get3A_89, %dot_general3A_90 {dimension_numbers = #tpu.dot_dimension_numbers<[1], [0], [0], [1], [0, 0, 1, 1], [], []>, precision = #tpu.contract_precision<fp32>, transpose_lhs_hint = false} : vector<1x384xf32>, vector<384x384xf32>, vector<1x384xf32> -> vector<1x384xf32>
    %get3A_92 = arith.constant 0 : index
    %get3A_93 = arith.constant 0 : index
    %get3A_94 = vector.load %arg9[%get3A_92, %get3A_93] : memref<1x384xf32, #tpu.memory_space<vmem>>, vector<1x384xf32>
    %add3A_95 = arith.addf %dot_general3A_91, %get3A_94 : vector<1x384xf32>
    %logistic3A = arith.negf %add3A_95 : vector<1x384xf32>
    %logistic3A_96 = math.exp %logistic3A : vector<1x384xf32>
    %logistic3A_97 = arith.constant 1.000000e+00 : f32
    %logistic3A_98 = vector.broadcast %logistic3A_97 : f32 to vector<1x384xf32>
    %logistic3A_99 = arith.addf %logistic3A_98, %logistic3A_96 : vector<1x384xf32>
    %logistic3A_100 = arith.divf %logistic3A_98, %logistic3A_99 : vector<1x384xf32>
    %mul3A = arith.mulf %logistic3A_100, %tanh3A_86 : vector<1x384xf32>
    %sub3A = arith.constant 1.000000e+00 : f32
    %sub3A_101 = vector.broadcast %sub3A : f32 to vector<1x384xf32>
    %sub3A_102 = arith.subf %sub3A_101, %logistic3A_100 : vector<1x384xf32>
    %slice3A_103 = vector.extract_strided_slice %add3A_26 {offsets = [0, 0], sizes = [1, 384], strides = [1, 1]} : vector<9x384xf32> to vector<1x384xf32>
    %mul3A_104 = arith.mulf %sub3A_102, %slice3A_103 : vector<1x384xf32>
    %add3A_105 = arith.addf %mul3A, %mul3A_104 : vector<1x384xf32>
    %swap3A = arith.constant 0 : index
    %swap3A_106 = arith.constant 0 : index
    %swap3A_107 = vector.load %arg10[%swap3A, %swap3A_106] : memref<1x384xf32, #tpu.memory_space<vmem>>, vector<1x384xf32>
    tpu.vector_store %arg10[%swap3A, %swap3A_106], %add3A_105 {strides = array<i32>} : memref<1x384xf32, #tpu.memory_space<vmem>>, vector<1x384xf32>,
    return
  }
}

</mosaic_0001>

<sc_bundles>
// kernel: kernel.5.cloned.1.call-start
scs
__scs_entry_jumppad:
0x0: {  	(pc) =	sbr.rel $0x88, $3  }
0x1: {  	(tag) =	ssettag $0x0;
	lr =	simm.s32 $0x1  }
0x2: {  	[smem:$0x3F97] =	sst lr;
	_ =	strace $0xD0000000  }
0x3: {  	_ = 	snop  }
0x4: {  	_ = 	snop  }
0x5: {  	_ = 	snop  }
0x6: {  	_ = 	snop  }
0x7: {  	_ = 	snop  }
__scs_overlays_trampoline_lowered:
0x8: {  	[smem:$0x3FA6] =	sst s0  }
0x9: {  	[smem:$0x3FA7] =	sst s1  }
0xa: {  	[smem:$0x3FA8] =	sst s2  }
0xb: {  	[smem:$0x3FA9] =	sst s3  }
0xc: {  	[smem:$0x3FAA] =	sst s4  }
0xd: {  	[smem:$0x3FAB] =	sst s5  }
0xe: {  	[smem:$0x3FAC] =	sst s6  }
0xf: {  	[smem:$0x3FAD] =	sst s7  }
0x10: {  	[smem:$0x3FAE] =	sst s8  }
0x11: {  	[smem:$0x3FAF] =	sst s9;
	s0 =	simm.s32 @!p0 $0x0  }
0x12: {  	s1 =	sld [smem:$0x3F95];
	s0 =	simm.s32 @p0 $0x1  }
0x13: {  	[smem:$0x3FB0] =	sst s0;
	s0 =	simm.s32 @!p1 $0x0  }
0x14: {  	s2 =	sld [smem:$0x3F94];
	s0 =	simm.s32 @p1 $0x1  }
0x15: {  	[smem:$0x3FB1] =	sst s0;
	s0 =	simm.s32 @!p2 $0x0  }
0x16: {  	s3 =	sld [smem:$0x3FDB];
	s0 =	simm.s32 @p2 $0x1  }
0x17: {  	s4 =	simm.s32 $0x1BF5;
	[smem:$0x3FB3] =	sst s0  }
0x18: {  	s0 =	sld [smem:$0x3F96];
	_ =	swait.ge [sflag:s4], $0x0  }
0x19: {  	s7 =	sld [smem:$0x3F97]  }
0x1a: {  	s8 =	sadd.s32 $0xFFFFE003, lr  }
0x1b: {  	s9 =	sadd.s32 $0xFFFFFEF7, lr;
	s5 =	simm.s32 $0xFFFFFFFF;
	p2 =	slt.u32 s8, $0xFFFFF086  }
0x1c: {  	p1 =	slt.u32 s9, $0xF7A;
	s5 =	simm.s32 @!p2 $0x0  }
0x1d: {  	s5 =	simm.s32 @p1 $0x1;
	p0 =	seq.s32 s7, s2  }
0x1e: {  	s7 =	smul.u32 @!p0 $0xF7A, s2;
	p2 =	seq.s32 @!p0 s5, $0x0  }
0x1f: {  	s9 =	smul.u32 $0xF7A, s1;
	s8 =	simm.s32 @!p0 $0x1BF5;
	p2 =	por !p2, p0  }
0x20: {  	[sflag:s8] =	ssyncset.s32 @!p0 $0xFFFFF086;
	s6 =	sadd.s32 @!p0 s3, s7;
	s7 =	simm.s32 @!p0 $0x108  }
0x21: {  	s3 =	sadd.s32 s3, s9;
	s6 =	sadd.s32 @!p0 $0x88, s6;
	s7 =	simm.s32 @p2 $0x1082  }
0x22: {  	[simem:s7], [sflag:s8] =	dma.local @!p0 [hbm:s6], $0xF7A  }
0x23: {  	s9 =	sor.u32 $0xD0000000, s2;
	s6 =	simm.s32 $0x108;
	_ =	swait.ge @!p0 [sflag:s8], $0x0  }
0x24: {  	s3 =	sadd.s32 $0x88, s3;
	s6 =	simm.s32 @!p1 $0x1082;
	[sflag:s4] =	ssyncset.s32 $0xFFFFF086  }
0x25: {  	[simem:s6], [sflag:s4] =	dma.local [hbm:s3], $0xF7A  }
0x26: {  	[smem:$0x3F97] =	sst s1;
	(tag) =	ssettag s2;
	_ =	strace s9  }
0x27: {  	s1 =	sld [smem:$0x3FA7]  }
0x28: {  	s2 =	sld [smem:$0x3FA8]  }
0x29: {  	s4 =	sld [smem:$0x3FAA]  }
0x2a: {  	p0 =	seq.s32 s5, $0x0;
	s5 =	sld [smem:$0x3FAB]  }
0x2b: {  	s6 =	sld [smem:$0x3FAC]  }
0x2c: {  	s7 =	sld [smem:$0x3FAD]  }
0x2d: {  	s3 =	simm.s32 $0x108;
	s8 =	sld [smem:$0x3FAE]  }
0x2e: {  	s3 =	simm.s32 @!p0 $0x1082;
	s9 =	sld [smem:$0x3FAF]  }
0x2f: {  	lr =	sadd.s32 s0, s3;
	s0 =	sld [smem:$0x3FA6]  }
0x30: {  	s3 =	sld [smem:$0x3FA9]  }
0x31: {  	[smem:$0x3FB2] =	sst s10  }
0x32: {  	s10 =	sld [smem:$0x3FB0];
	_ =	sdelay $0x3  }
0x33: {  	p0 =	seq.s32 s10, $0x1;
	s10 =	sld [smem:$0x3FB2];
	_ =	sdelay $0x3  }
0x34: {  	[smem:$0x3FB2] =	sst s10  }
0x35: {  	s10 =	sld [smem:$0x3FB1];
	_ =	sdelay $0x3  }
0x36: {  	p1 =	seq.s32 s10, $0x1;
	s10 =	sld [smem:$0x3FB2];
	_ =	sdelay $0x3  }
0x37: {  	[smem:$0x3FB2] =	sst s10  }
0x38: {  	s10 =	sld [smem:$0x3FB3]  }
0x39: {  	_ = 	snop;
	(pc) =	sbr.ind lr, $3  }
0x3a: {  	_ = 	snop  }
0x3b: {  	_ = 	snop  }
0x3c: {  	p2 =	seq.s32 s10, $0x1;
	s10 =	sld [smem:$0x3FB2]  }
0x3d: {  	_ =	shalt  }
0x3e: {  	_ =	shalt  }
0x3f: {  	_ =	shalt  }
0x40: {  	_ =	shalt  }
0x41: {  	_ =	shalt  }
0x42: {  	_ =	shalt  }
0x43: {  	_ =	shalt  }
0x44: {  	_ =	shalt  }
0x45: {  	_ =	shalt  }
0x46: {  	_ =	shalt  }
0x47: {  	_ =	shalt  }
0x48: {  	_ =	shalt  }
0x49: {  	_ =	shalt  }
0x4a: {  	_ =	shalt  }
0x4b: {  	_ =	shalt  }
0x4c: {  	_ =	shalt  }
0x4d: {  	_ =	shalt  }
0x4e: {  	_ =	shalt  }
0x4f: {  	_ =	shalt  }
0x50: {  	_ =	shalt  }
0x51: {  	_ =	shalt  }
0x52: {  	_ =	shalt  }
0x53: {  	_ =	shalt  }
0x54: {  	_ =	shalt  }
0x55: {  	_ =	shalt  }
0x56: {  	_ =	shalt  }
0x57: {  	_ =	shalt  }
0x58: {  	_ =	shalt  }
0x59: {  	_ =	shalt  }
0x5a: {  	_ =	shalt  }
0x5b: {  	_ =	shalt  }
0x5c: {  	_ =	shalt  }
0x5d: {  	_ =	shalt  }
0x5e: {  	_ =	shalt  }
0x5f: {  	_ =	shalt  }
0x60: {  	_ =	shalt  }
0x61: {  	_ =	shalt  }
0x62: {  	_ =	shalt  }
0x63: {  	_ =	shalt  }
0x64: {  	_ =	shalt  }
0x65: {  	_ =	shalt  }
0x66: {  	_ =	shalt  }
0x67: {  	_ =	shalt  }
0x68: {  	_ =	shalt  }
0x69: {  	_ =	shalt  }
0x6a: {  	_ =	shalt  }
0x6b: {  	_ =	shalt  }
0x6c: {  	_ =	shalt  }
0x6d: {  	_ =	shalt  }
0x6e: {  	_ =	shalt  }
0x6f: {  	_ =	shalt  }
0x70: {  	_ =	shalt  }
0x71: {  	_ =	shalt  }
0x72: {  	_ =	shalt  }
0x73: {  	_ =	shalt  }
0x74: {  	_ =	shalt  }
0x75: {  	_ =	shalt  }
0x76: {  	_ =	shalt  }
0x77: {  	_ =	shalt  }
0x78: {  	_ =	shalt  }
0x79: {  	_ =	shalt  }
0x7a: {  	_ =	shalt  }
0x7b: {  	_ =	shalt  }
0x7c: {  	_ =	shalt  }
0x7d: {  	_ =	shalt  }
0x7e: {  	_ =	shalt  }
0x7f: {  	_ =	shalt  }
0x80: {  	_ =	shalt  }
0x81: {  	_ =	shalt  }
0x82: {  	_ =	shalt  }
0x83: {  	_ =	shalt  }
0x84: {  	_ =	shalt  }
0x85: {  	_ =	shalt  }
0x86: {  	_ =	shalt  }
0x87: {  	_ =	shalt  }
.Lfunc_end0:
.L_simem_size_0:
called_computation_lowered:
.L_overlay_start_0:
0x88: {  	s2 =	sld [smem:$0x3FD9]  }
0x89: {  	s3 =	sld [smem:$0x3FFE];
	_ =	sdelay $0x1  }
0x8a: {  	s1 =	srdreg.scid  }
0x8b: {  	s0 =	sand.u32 $0x1, s1  }
0x8c: {  	s17 =	sshll.u32 s0, $0xA;
	s2 =	sadd.s32 s3, s2  }
0x8d: {  	s2 =	sadd.s32 s2, s17  }
0x8e: {  	[smem:$0x3FBE] =	sst s2  }
0x8f: {  	_ = 	snop  }
0x90: {  	s2 =	sld [smem:$0x3FC8]  }
0x91: {  	s18 =	sld [smem:$0x3FD0];
	(tm) =	ssettm $0x1  }
0x92: {  	s4 =	sld [smem:$0x3FFB];
	_ =	sdelay $0x3  }
0x93: {  	_ =	strace s4  }
0x94: {  	s4 =	sld [smem:$0x3FFC];
	_ =	sdelay $0x3  }
0x95: {  	_ =	strace s4  }
0x96: {  	s4 =	sld [smem:$0x3FFD];
	_ =	sdelay $0x3  }
0x97: {  	_ =	strace s4  }
0x98: {  	_ =	strace $0x8FFFFFFF  }
0x99: {  	s19 =	sld [smem:$0x3FDB];
	_ =	sdelay $0x1  }
0x9a: {  	s5 =	simm.s32 $_scs_section_size  }
0x9b: {  	s6 =	simm.s32 $_size__tile_overlayer_lowered;
	s7 =	simm.s32 $_tile_overlayer_lowered  }
0x9c: {  	s22 =	simm.s32 $0x1BFF;
	s21 =	sshll.u32 s7, $0x1;
	s4 =	sadd.s32 s5, s19  }
0x9d: {  	s8 =	simm.s32 $0x0;
	s20 =	sshll.u32 s6, $0x1;
	s6 =	sadd.s32 s21, s4  }
0x9e: {  	[timem:s8], [sflag:s22] =	dma.local [hbm:s6], s20  }
0x9f: {  	_ =	swait.ge [sflag:s22], s20  }
0xa0: {  	s5 =	ssub.s32 $0x0, s20;
	[sflag:s22] =	ssyncset.done $0x0  }
0xa1: {  	[sflag:s22] =	ssyncadd.s32 s5;
	_ =	sdelay $0x1  }
0xa2: {  	s23 =	simm.s32 $0x1B8B  }
0xa3: {  	_ =	swait.ge [sflag:s23], $0x1  }
0xa4: {  	[sflag:s23] =	ssyncset.done $0x0  }
0xa5: {  	s25 =	simm.s32 $0x1B8E;
	s24 =	sld [smem:$0x3FFE];
	[sflag:s23] =	ssyncadd.s32 $0xFFFFFFFF  }
0xa6: {  	s26 =	simm.s32 $execute0_lowered;
	[smem:$0x3FD2] =	sst s25  }
0xa7: {  	s6 =	sshll.u32 s26, $0x1;
	_ =	strace $0x80000046;
	[dreg:$0x1] =	wrdreg $0xFFFFFFFF  }
0xa8: {  	s28 =	simm.s32 $_size_execute0_lowered;
	s4 =	sadd.s32 s4, s6;
	[dreg:$0x0] =	wrdreg $0x0  }
0xa9: {  	s6 =	sshll.u32 s28, $0x1;
	[dreg:$0x2] =	wrdreg s4  }
0xaa: {  	[dreg:$0x3] =	wrdreg s6  }
0xab: {  	[dreg:$0x4] =	wrdreg $0xC0  }
0xac: {  	_ =	task [dreg:s8], $0x5FFFF  }
0xad: {  	[dreg:$0x1] =	wrdreg $0xFFFFFFFF  }
0xae: {  	[dreg:$0x0] =	wrdreg $0x60  }
0xaf: {  	[dreg:$0x2] =	wrdreg s24  }
0xb0: {  	[dreg:$0x3] =	wrdreg s2  }
0xb1: {  	[dreg:$0x4] =	wrdreg s18  }
0xb2: {  	[dreg:$0x5] =	wrdreg $0x9  }
0xb3: {  	_ =	task.clear_ibuf [dreg:s8], $0x6FFFF;
	_ =	strace $0x90000046  }
0xb4: {  	s29 =	simm.s32 $0x9;
	_ =	strace $0x80000048  }
0xb5: {  	_ =	swait.ge [sflag:s29], $0x1  }
0xb6: {  	[sflag:s29] =	ssyncadd.s32 $0xFFFFFFFF  }
0xb7: {  	_ =	strace $0x90000048  }
0xb8: {  	_ =	sfence  }
0xb9: {  	s30 =	sld [smem:$0x0];
	_ =	sdelay $0x2  }
0xba: {  	s31 =	sshll.u32 s1, $0xD;
	s1 =	sshrl.u32 s1, $0x2  }
0xbb: {  	s3 =	sand.u32 $0x4000, s31;
	s1 =	sadd.s32 s1, s30  }
0xbc: {  	s0 =	sor.u32 s3, s0;
	s1 =	sshll.u32 s1, $0x11  }
0xbd: {  	s0 =	sor.u32 s1, s0  }
0xbe: {  	s0 =	sadd.s32 $0x8F2B, s0  }
0xbf: {  	[sflag:s0] =	ssyncadd.remote.s32 $0x1  }
0xc0: {  	_ =	sfence.sel $0xFFFF  }
0xc1: {  	[dreg:$0x0] =	wrdreg $0xFFFFFFFF;
	(pc) =	sbr.abs _section_cstart, $3  }
0xc2: {  	[dreg:$0x1] =	wrdreg $0xFFFFFFFF  }
0xc3: {  	_ =	task.clear_ibuf [dreg:s8], $0x2FFFF;
	_ =	strace $0x9FFFFFFF  }
0xc4: {  	(tm) =	ssettm $0x7FFFFFFF  }
0xc5: {  	_ =	shalt  }
tec
execute0_lowered:
.L_overlay_start_1:
0x0: {  	(tag) =	ssettag $0x1  }
0x1: {  	s3 =	rddreg [dreg:$0x0]  }
0x2: {  	s0 =	srdreg.scid;
	s1 =	rddreg [dreg:$0x1]  }
0x3: {  	s16 =	stileid.u32;
	s11 =	rddreg [dreg:$0x2];
	s2 =	simm.s32 $0x0  }
0x4: {  	s17 =	simm.s32 $0x1980;
	s18 =	simm.s32 $0x1A00;
	s19 =	simm.s32 $0x1B00  }
0x5: {  	s20 =	simm.s32 $0x1C00;
	s21 =	simm.s32 $0x2400;
	s22 =	simm.s32 $0x2800  }
0x6: {  	s23 =	simm.s32 $0x3000;
	s7 =	sand.u32 $0x1, s0;
	s0 =	rddreg [dreg:$0x3]  }
0x7: {  	s24 =	simm.s32 $0x1;
	s25 =	simm.s32 $0x0;
	[smem:$0x7FF] =	sst s2  }
0x8: {  	s9 =	sadd.s32 $0x1A00, s3;
	s13 =	sadd.s32 $0x1C00, s3;
	s31 =	smul.u32 $0xC80, s16  }
0x9: {  	p0 =	sne.s32 s16, $0x0;
	s10 =	sshll.u32 s7, $0x4;
	s6 =	smul.u32 $0x300, s7  }
0xa: {  	_ =	strace $0x80000047;
	s8 =	ssub.s32 $0x2, s7;
	s30 =	sshll.u32 s7, $0x5  }
0xb: {  	s15 =	smul.u32 $0xC800, s7;
	s4 =	sor.u32 s16, s10;
	s28 =	sshrl.u32 s8, $0x1  }
0xc: {  	s7 =	sadd.s32 s9, s30;
	s10 =	sadd.s32 s11, s10;
	s16 =	simm.s32 $0x1900  }
0xd: {  	s5 =	smul.u32 $0xC80, s4;
	s12 =	sadd.s32 s6, s3;
	s14 =	ssub.s32 s8, s28  }
.Ltmp0:
0xe: {  	s29 =	sshll.u32 s4, $0x1;
	s8 =	sadd.s32 s13, s30;
	(pc) =	sbr.rel .LBB2_1-.Ltmp0, $4  }
0xf: {  	s6 =	sadd.s32 s13, s29;
	s11 =	sadd.s32 $0x1E00, s12;
	s5 =	sshrl.u32 s5, $0x3  }
0x10: {  	v0 =	vlaneseq.u32;
	s12 =	smax.u32 s14, $0x1;
	s13 =	sadd.s32 s31, s15;
	s5 =	sadd.s32 s5, s3  }
0x11: {  	vm0 =	vmmov $0xffff;
	vm1 =	vmmov $0xff;
	v2 =	vshrl.u32 v0, $0x3;
	s14 =	simm.s32 $0x2;
	s15 =	simm.s32 $0xC80;
	s3 =	sadd.s32 $0x194C00, s5  }
0x12: {  	v1 =	vand.u32 $0x7, v0;
	v3 =	vor.u32 $0x8, v0;
	v2 =	vmul.u32 $0x8, v2;
	s4 =	sadd.s32 $0x191A00, s5;
	s5 =	sadd.s32 s9, s29;
	s9 =	sadd.s32 $0x100, s1  }
.LBB2_6:
0x13: {  	v6, v7, _ =	vpop (xrf1)  }
0x14: {  	v8, v9, _ =	vpop (xrf1)  }
0x15: {  	vm2 =	vge.f32 v8, v6  }
0x16: {  	(xrf1) =	vsort.ascd.msk.f32 $0xffff, v4, v5;
	v4 =	vsel vm2, v8, v6;
	v5 =	vsel vm2, v9, v7  }
0x17: {  	(xrf1) =	vsort.dscd.msk.f32 $0xffff, v4, v5;
	_ =	sdelay $0xc  }
0x18: {  	v4, v5, _ =	vpop (xrf1)  }
0x19: {  	v60, v61, _ =	vpop (xrf1)  }
0x1a: {  	vm2 =	vge.f32 v60, v4  }
0x1b: {  	v4 =	vsel vm2, v60, v4;
	v5 =	vsel vm2, v61, v5  }
0x1c: {  	(xrf1) =	vsort.dscd.msk.f32 $0xffff, v4, v5;
	_ =	sdelay $0xd  }
0x1d: {  	v4, v5, _ =	vpop (xrf1)  }
0x1e: {  	v62 =	vshrl.u32 v5, $0x3  }
0x1f: {  	v6 =	vmul.u32 $0x18, v62  }
0x20: {  	v63 =	vand.u32 $0x7, v5  }
0x21: {  	v6 =	vor.u32 v63, v6  }
0x22: {  	v7 =	vperm.xlane v6, v1;
	_ =	sdelay $0x1  }
0x23: {  	v7 =	vadd.s32 v2, v7;
	_ =	sdelay $0x1  }
0x24: {  	v6 =	vperm.xlane v6, v3  }
0x25: {  	[tilespmem:$0x1900] =	vst v4  }
0x26: {  	[tilespmem:$0x1980] =	vst v5;
	v4 =	vadd.s32 v2, v6  }
0x27: {  	[tilespmem:s20], [sflag:$0x1] =	stream.indirect_vreg.gather [hbm4b:s1+s2], $0x80, v7, vm0, $0xb8;
	[tilespmem:$0x3400] =	vst v63  }
0x28: {  	_ = 	snop  }
0x29: {  	[tilespmem:s21], [sflag:$0x1] =	stream.indirect_vreg.gather [hbm4b:s9+s2], $0x80, v7, vm1, $0xb8;
	[tilespmem:$0x3400] =	vst v63  }
0x2a: {  	_ = 	snop  }
0x2b: {  	[tilespmem:s22], [sflag:$0x1] =	stream.indirect_vreg.gather [hbm4b:s1+s2], $0x80, v4, vm0, $0xb8;
	[tilespmem:$0x3400] =	vst v63  }
0x2c: {  	_ = 	snop  }
0x2d: {  	[tilespmem:s23], [sflag:$0x1] =	stream.indirect_vreg.gather [hbm4b:s9+s2], $0x80, v4, vm1, $0xb8;
	[tilespmem:$0x3400] =	vst v63  }
0x2e: {  	_ =	swait.ge [sflag:s24], $0x1800  }
0x2f: {  	[sflag:s24] =	ssyncset.done $0x0  }
0x30: {  	[sflag:s24] =	ssyncadd.s32 $0xFFFFE800  }
0x31: {  	[hbm4b:s10+s2] =	stream.linear.scatter [tilespmem:s16], [sflag:$0x2], $0x80, $0x38;
	[tilespmem:$0x3400] =	vst v63  }
0x32: {  	_ =	swait.ge [sflag:s14], $0x80  }
0x33: {  	[sflag:s14] =	ssyncset.done $0x0  }
0x34: {  	[sflag:s14] =	ssyncadd.s32 $0xFFFFFF80  }
0x35: {  	[hbm4b:s11+s2] =	stream.linear.scatter [tilespmem:s20], [sflag:$0x2], $0x1800, $0x38;
	[tilespmem:$0x3400] =	vst v63  }
0x36: {  	_ =	swait.ge [sflag:s14], $0x1800  }
0x37: {  	[sflag:s14] =	ssyncset.done $0x0  }
0x38: {  	[sflag:s14] =	ssyncadd.s32 $0xFFFFE800  }
.LBB2_7:
0x39: {  	s25 =	sadd.s32 $0x1, s25  }
0x3a: {  	p1 =	sne.s32 s25, s12  }
.Ltmp1:
0x3b: {  	_ = 	snop;
	(pc) =	sbr.rel @!p1 .LBB2_8-.Ltmp1, $1  }
0x3c: {  	_ =	sdelay $0x3  }
.LBB2_1:
0x3d: {  	[tilespmem:s2], [sflag:$0x2] =	stream.linear.gather [hbm4b:s3+s2], $0xC80, $0x38;
	[tilespmem:$0x3400] =	vst v63  }
0x3e: {  	_ =	swait.ge [sflag:s14], $0xC80  }
0x3f: {  	[sflag:s14] =	ssyncset.done $0x0  }
0x40: {  	[sflag:s14] =	ssyncadd.s32 $0xFFFFF380  }
0x41: {  	[tilespmem:s15], [sflag:$0x2] =	stream.linear.gather [hbm4b:s4+s2], $0xC80, $0x38;
	[tilespmem:$0x3400] =	vst v63  }
0x42: {  	_ =	swait.ge [sflag:s14], $0xC80  }
0x43: {  	[sflag:s14] =	ssyncset.done $0x0  }
0x44: {  	s26 =	simm.s32 $0x0;
	[sflag:s14] =	ssyncadd.s32 $0xFFFFF380  }
0x45: {  	v4 =	vld [tilespmem:s26+$0x0]  }
0x46: {  	v5 =	vld [tilespmem:s26+$0xC80]  }
0x47: {  	v6 =	vld [tilespmem:s26+$0x10]  }
0x48: {  	v7 =	vld [tilespmem:s26+$0xC90];
	_ =	sdelay $0x3  }
0x49: {  	v8 =	vmov s13;
	s30 =	sadd.s32 $0x10, s13;
	v4 =	vadd.f32 v5, v4  }
0x4a: {  	vm2 =	vlt.u32 v8, $0x186A0;
	v5 =	vmov s30;
	v6 =	vadd.f32 v7, v6  }
0x4b: {  	v7 =	vor.u32 s13, v0;
	v4 =	vnsel vm2, $0xFF61B1E6, v4;
	vm2 =	vlt.u32 v5, $0x186A0  }
0x4c: {  	v5 =	vor.u32 s30, v0;
	v6 =	vnsel vm2, $0xFF61B1E6, v6;
	(xrf1) =	vsort.ascd.msk.f32 $0xffff, v4, v7  }
0x4d: {  	(xrf1) =	vsort.ascd.msk.f32 $0xffff, v6, v5;
	_ =	sdelay $0x1  }
0x4e: {  	s31 =	simm.s32 $0x20  }
0x4f: {  	v4 =	vld [tilespmem:s31+$0x0]  }
0x50: {  	v7 =	vld [tilespmem:s31+$0xC90]  }
0x51: {  	v5 =	vld [tilespmem:s31+$0xC80]  }
0x52: {  	v6 =	vld [tilespmem:s31+$0x10];
	_ =	sdelay $0x2  }
0x53: {  	s26 =	sadd.s32 $0x20, s13  }
0x54: {  	v8 =	vmov s26;
	s28 =	sadd.s32 $0x10, s26;
	v4 =	vadd.f32 v5, v4  }
0x55: {  	vm2 =	vlt.u32 v8, $0x186A0;
	v5 =	vmov s28;
	v6 =	vadd.f32 v7, v6  }
0x56: {  	v7 =	vor.u32 s26, v0;
	v4 =	vnsel vm2, $0xFF61B1E6, v4;
	vm2 =	vlt.u32 v5, $0x186A0  }
0x57: {  	v10 =	vor.u32 s28, v0;
	v5 =	vimm.f32 $-3.000000010e+38;
	v6 =	vnsel vm2, $0xFF61B1E6, v6;
	(xrf1) =	vsort.ascd.msk.f32 $0xffff, v4, v7;
	v8, v9, _ =	vpop (xrf1)  }
0x58: {  	v11 =	vimm.s32 $0x0;
	(xrf1) =	vsort.ascd.msk.f32 $0xffff, v6, v10;
	v12, v13, _ =	vpop (xrf1);
	vm2 =	vge.f32 v5, v8  }
0x59: {  	v6 =	vsel vm2, v5, v8;
	v8 =	vsel vm2, v11, v9;
	vm2 =	vge.f32 v5, v12  }
0x5a: {  	v62 =	vsel vm2, v5, v12;
	v63 =	vsel vm2, v11, v13;
	(xrf1) =	vsort.dscd.msk.f32 $0xffff, v6, v8  }
0x5b: {  	(xrf1) =	vsort.dscd.msk.f32 $0xffff, v62, v63;
	_ =	sdelay $0x1  }
0x5c: {  	s28 =	simm.s32 $0x40  }
0x5d: {  	v4 =	vld [tilespmem:s28+$0x0]  }
0x5e: {  	v7 =	vld [tilespmem:s28+$0xC80]  }
0x5f: {  	v5 =	vld [tilespmem:s28+$0x10]  }
0x60: {  	v6 =	vld [tilespmem:s28+$0xC90];
	_ =	sdelay $0x1  }
0x61: {  	s28 =	simm.s32 $0x180  }
.LBB2_2:
0x62: {  	p1 =	sne.s32 s28, $0x3180;
	s26 =	sadd.s32 $0x20, s26  }
0x63: {  	v16 =	vadd.f32 v7, v4;
	v8 =	vmov s26;
	s29 =	sadd.s32 $0x10, s26;
	v7, v9, _ =	vpop (xrf1)  }
0x64: {  	vm2 =	vlt.u32 v8, $0x186A0;
	v18 =	vmov s29;
	v17 =	vadd.f32 v6, v5;
	v6, v10, _ =	vpop (xrf1)  }
0x65: {  	v14 =	vor.u32 s26, v0;
	v12 =	vnsel vm2, $0xFF61B1E6, v16;
	vm2 =	vlt.u32 v18, $0x186A0  }
0x66: {  	v15 =	vor.u32 s29, v0;
	v13 =	vnsel vm2, $0xFF61B1E6, v17;
	(xrf1) =	vsort.ascd.msk.f32 $0xffff, v12, v14;
	v4, v11, _ =	vpop (xrf1)  }
0x67: {  	(xrf1) =	vsort.ascd.msk.f32 $0xffff, v13, v15;
	vm2 =	vge.f32 v4, v7;
	v5, v8, _ =	vpop (xrf1)  }
0x68: {  	v4 =	vsel vm2, v4, v7;
	v7 =	vsel vm2, v11, v9;
	vm2 =	vge.f32 v5, v6  }
0x69: {  	v5 =	vsel vm2, v5, v6;
	v6 =	vsel vm2, v8, v10;
	(xrf1) =	vsort.dscd.msk.f32 $0xffff, v4, v7  }
0x6a: {  	(xrf1) =	vsort.dscd.msk.f32 $0xffff, v5, v6;
	_ =	sdelay $0x1  }
0x6b: {  	s29 =	sshra.s32 s28, $0x2  }
0x6c: {  	v4 =	vld [tilespmem:s29+$0x0]  }
.Ltmp2:
0x6d: {  	v7 =	vld [tilespmem:s29+$0xC80];
	(pc) =	sbr.rel @p1 .LBB2_2-.Ltmp2, $3  }
0x6e: {  	v5 =	vld [tilespmem:s29+$0x10]  }
0x6f: {  	v6 =	vld [tilespmem:s29+$0xC90];
	_ =	sdelay $0x1  }
0x70: {  	s28 =	sadd.s32 $0x80, s28  }
0x71: {  	s26 =	sadd.s32 $0x20, s26  }
0x72: {  	v4 =	vadd.f32 v7, v4;
	v8 =	vmov s26;
	s28 =	sadd.s32 $0x10, s26;
	v11 =	vor.u32 s26, v0  }
0x73: {  	vm2 =	vlt.u32 v8, $0x186A0;
	v58 =	vmov s28;
	v5 =	vadd.f32 v6, v5  }
0x74: {  	v4 =	vnsel vm2, $0xFF61B1E6, v4;
	vm2 =	vlt.u32 v58, $0x186A0  }
0x75: {  	v7, v9, _ =	vpop (xrf1);
	v5 =	vnsel vm2, $0xFF61B1E6, v5  }
0x76: {  	v6, v10, _ =	vpop (xrf1)  }
0x77: {  	v59 =	vor.u32 s28, v0;
	(xrf1) =	vsort.ascd.msk.f32 $0xffff, v4, v11;
	v4, v11, _ =	vpop (xrf1)  }
0x78: {  	(xrf1) =	vsort.ascd.msk.f32 $0xffff, v5, v59;
	vm2 =	vge.f32 v4, v7;
	v5, v8, _ =	vpop (xrf1)  }
0x79: {  	v4 =	vsel vm2, v4, v7;
	v7 =	vsel vm2, v11, v9;
	vm2 =	vge.f32 v5, v6  }
0x7a: {  	v5 =	vsel vm2, v5, v6;
	v6 =	vsel vm2, v8, v10;
	(xrf1) =	vsort.dscd.msk.f32 $0xffff, v4, v7  }
0x7b: {  	(xrf1) =	vsort.dscd.msk.f32 $0xffff, v5, v6;
	_ =	sdelay $0xa  }
0x7c: {  	v4, v5, _ =	vpop (xrf1)  }
0x7d: {  	v6, v7, _ =	vpop (xrf1)  }
0x7e: {  	v61, v60, _ =	vpop (xrf1)  }
0x7f: {  	vm2 =	vge.f32 v61, v4;
	v63, v62, _ =	vpop (xrf1)  }
0x80: {  	v4 =	vsel vm2, v61, v4;
	v5 =	vsel vm2, v60, v5;
	vm2 =	vge.f32 v63, v6  }
0x81: {  	v6 =	vsel vm2, v63, v6;
	v7 =	vsel vm2, v62, v7;
	(xrf1) =	vsort.dscd.msk.f32 $0xffff, v4, v5  }
0x82: {  	(xrf1) =	vsort.dscd.msk.f32 $0xffff, v6, v7;
	_ =	sdelay $0xc  }
0x83: {  	v4, v5, _ =	vpop (xrf1)  }
0x84: {  	v6, v7, _ =	vpop (xrf1)  }
0x85: {  	(xrf1) =	vsort.ascd.msk.f32 $0xffff, v6, v7;
	_ =	sdelay $0xd  }
0x86: {  	v6, v7, _ =	vpop (xrf1)  }
0x87: {  	vm2 =	vge.f32 v4, v6  }
0x88: {  	v4 =	vsel vm2, v4, v6;
	v5 =	vsel vm2, v5, v7  }
0x89: {  	(xrf1) =	vsort.dscd.msk.f32 $0xffff, v4, v5;
	_ =	sdelay $0xd  }
0x8a: {  	v5, v4, _ =	vpop (xrf1)  }
0x8b: {  	[tilespmem:$0x1900] =	vst v5  }
0x8c: {  	[tilespmem:$0x1980] =	vst v4  }
0x8d: {  	[hbm4b:s5+s2] =	stream.linear.scatter [tilespmem:s16], [sflag:$0x2], $0x10, $0x38;
	[tilespmem:$0x3400] =	vst v63  }
0x8e: {  	_ =	swait.ge [sflag:s14], $0x10  }
0x8f: {  	[sflag:s14] =	ssyncset.done $0x0  }
0x90: {  	[sflag:s14] =	ssyncadd.s32 $0xFFFFFFF0  }
0x91: {  	[hbm4b:s6+s2] =	stream.linear.scatter [tilespmem:s17], [sflag:$0x2], $0x10, $0x38;
	[tilespmem:$0x3400] =	vst v63  }
.Ltmp3:
0x92: {  	_ =	swait.ge [sflag:s14], $0x10;
	(pc) =	sbr.rel @p0 .LBB2_7-.Ltmp3, $3  }
0x93: {  	[sflag:s14] =	ssyncset.done $0x0  }
0x94: {  	[sflag:s14] =	ssyncadd.s32 $0xFFFFFFF0  }
0x95: {  	[bflag:$0x0] =	sbarrier.arrive $0xFFFF;
	_ =	sdelay $0x1  }
0x96: {  	[tilespmem:s18], [sflag:$0x2] =	stream.linear.gather [hbm4b:s7+s2], $0x100, $0x38;
	[tilespmem:$0x3400] =	vst v63  }
0x97: {  	_ =	swait.ge [sflag:s14], $0x100  }
0x98: {  	[sflag:s14] =	ssyncset.done $0x0  }
0x99: {  	[sflag:s14] =	ssyncadd.s32 $0xFFFFFF00  }
0x9a: {  	[tilespmem:s19], [sflag:$0x2] =	stream.linear.gather [hbm4b:s8+s2], $0x100, $0x38;
	[tilespmem:$0x3400] =	vst v63  }
0x9b: {  	_ =	swait.ge [sflag:s14], $0x100  }
0x9c: {  	[sflag:s14] =	ssyncset.done $0x0  }
0x9d: {  	s26 =	simm.s32 $0x10;
	[sflag:s14] =	ssyncadd.s32 $0xFFFFFF00  }
0x9e: {  	v6 =	vld [tilespmem:s26+$0x1A00]  }
0x9f: {  	v7 =	vld [tilespmem:s26+$0x1B00];
	_ =	sdelay $0x4  }
0xa0: {  	(xrf1) =	vsort.ascd.msk.f32 $0xffff, v6, v7;
	_ =	sdelay $0x8  }
0xa1: {  	s30 =	simm.s32 $0x20  }
0xa2: {  	v6 =	vld [tilespmem:s30+$0x1A00]  }
0xa3: {  	v7 =	vld [tilespmem:s30+$0x1B00];
	_ =	sdelay $0x2  }
0xa4: {  	v8, v9, _ =	vpop (xrf1)  }
0xa5: {  	vm2 =	vge.f32 v5, v8  }
0xa6: {  	(xrf1) =	vsort.ascd.msk.f32 $0xffff, v6, v7;
	v5 =	vsel vm2, v5, v8;
	v6 =	vsel vm2, v4, v9  }
0xa7: {  	(xrf1) =	vsort.dscd.msk.f32 $0xffff, v5, v6;
	_ =	sdelay $0x8  }
0xa8: {  	s31 =	simm.s32 $0x30  }
0xa9: {  	v4 =	vld [tilespmem:s31+$0x1A00]  }
0xaa: {  	s26 =	simm.s32 $0x100;
	v5 =	vld [tilespmem:s31+$0x1B00]  }
.LBB2_5:
0xab: {  	p1 =	sne.s32 s26, $0x3C0  }
0xac: {  	v6, v7, _ =	vpop (xrf1)  }
0xad: {  	v8, v9, _ =	vpop (xrf1)  }
0xae: {  	vm2 =	vge.f32 v8, v6  }
0xaf: {  	(xrf1) =	vsort.ascd.msk.f32 $0xffff, v4, v5;
	v4 =	vsel vm2, v8, v6;
	v5 =	vsel vm2, v9, v7  }
0xb0: {  	(xrf1) =	vsort.dscd.msk.f32 $0xffff, v4, v5;
	_ =	sdelay $0x6  }
.Ltmp4:
0xb1: {  	(pc) =	sbr.rel @p1 .LBB2_5-.Ltmp4, $4  }
0xb2: {  	_ = 	snop  }
0xb3: {  	s28 =	sshra.s32 s26, $0x2  }
0xb4: {  	v4 =	vld [tilespmem:s28+$0x1A00]  }
0xb5: {  	s26 =	sadd.s32 $0x40, s26;
	v5 =	vld [tilespmem:s28+$0x1B00]  }
.Ltmp5:
0xb6: {  	_ = 	snop;
	(pc) =	sbr.rel .LBB2_6-.Ltmp5, $1  }
0xb7: {  	_ =	sdelay $0x3  }
.LBB2_8:
0xb8: {  	_ =	sfence.sel $0x180000  }
0xb9: {  	[bflag:$0x0] =	sbarrier.arrive $0xFFFF  }
0xba: {  	_ =	strace $0x90000047  }
0xbb: {  	s0 =	sadd.s32 @!p0 $0x100000, s0;
	[bflag:$0x2] =	sbarrier.arrive $0xFFFF  }
0xbc: {  	[sflag:s0] =	ssyncadd.tile.s32 @!p0 $0x1;
	_ =	shalt  }
.Lfunc_end2:
_tile_overlayer_lowered:
.L_overlay_start_2:
0xbd: {  	(tag) =	ssettag $0x2  }
0xbe: {  	s0 =	rddreg [dreg:$0x0];
	s2 =	stileid.u32  }
0xbf: {  	s1 =	rddreg [dreg:$0x1];
	p0 =	sne.s32 s2, $0x0  }
0xc0: {  	s3 =	rddreg [dreg:$0x2];
	[bflag:$0x3] =	sbarrier.arrive $0xFFFF;
	s2 =	simm.s32 @!p0 $0x1C02  }
0xc1: {  	[timem:s3], [sflag:s2] =	dma.local @!p0 [hbm:s0], s1  }
0xc2: {  	s0 =	simm.s32 @!p0 $0x2  }
0xc3: {  	_ =	swait.ge @!p0 [sflag:s0], s1  }
0xc4: {  	s1 =	ssub.s32 @!p0 $0x0, s1;
	[sflag:s0] =	ssyncset.done @!p0 $0x0  }
0xc5: {  	[sflag:s0] =	ssyncadd.s32 @!p0 s1  }
0xc6: {  	[bflag:$0x3] =	sbarrier.arrive $0xFFFF  }
0xc7: {  	_ =	shalt  }

</sc_bundles>
